<compile_context>
chip_gen: v7x
topology: tpu7x:2x2x1
jax: 0.10.2.dev20260603
libtpu: 0.0.44.dev20260713+nightly
codegen_flags: <defaults>
</compile_context>

<pallas_src>
import functools
import jax
import jax.numpy as jnp
from jax import lax
from jax.experimental import pallas as pl
from jax.experimental.pallas import tpu as pltpu
from jax.experimental.pallas import tpu_sc as plsc

N = 10000
E = 320000
F = 128
NP = 10240
NC, NS = 2, 16
NW = NC * NS
EPW = E // NW
K = 80
NCH = EPW // K
KC = 125
NCHC = EPW // KC
HCH = NCHC // 2
RPT = NP // NS

_mesh = functools.partial(
    plsc.VectorSubcoreMesh, core_axis_name="c", subcore_axis_name="s",
    num_cores=NC, num_subcores=NS)


@functools.partial(
    pl.kernel,
    out_type=jax.ShapeDtypeStruct((NC, NP), jnp.float32),
    mesh=_mesh(),
    scratch_types=[
        pltpu.VMEM((NCH, K), jnp.int32),
        pltpu.VMEM((K,), jnp.float32),
        pltpu.VMEM_SHARED((NP,), jnp.float32),
        pltpu.SemaphoreType.DMA,
    ],
)
def _sc_degree(rows_hbm, zeros_hbm, out_hbm, rowv, ones_v, hist, sem):
    c = lax.axis_index("c")
    s = lax.axis_index("s")
    pltpu.sync_copy(zeros_hbm.at[pl.ds(s * RPT, RPT)],
                    hist.at[pl.ds(s * RPT, RPT)])
    pltpu.sync_copy(rows_hbm.at[c, s], rowv)
    for i in range(K // 16):
        ones_v[pl.ds(i * 16, 16)] = jnp.ones((16,), jnp.float32)
    plsc.subcore_barrier()

    def body(j, carry):
        pltpu.sync_copy(ones_v, hist.at[rowv.at[j]], add=True)
        return carry

    lax.fori_loop(0, NCH, body, 0)
    plsc.subcore_barrier()
    pltpu.sync_copy(hist.at[pl.ds(s * RPT, RPT)],
                    out_hbm.at[c, pl.ds(s * RPT, RPT)])


@functools.partial(
    pl.kernel,
    out_type=jax.ShapeDtypeStruct((NC, NP, F), jnp.float32),
    mesh=_mesh(),
    scratch_types=[
        pltpu.VMEM((HCH, KC), jnp.int32),
        pltpu.VMEM((HCH, KC), jnp.int32),
        pltpu.VMEM((KC, F), jnp.float32),
        pltpu.VMEM((KC, F), jnp.float32),
        pltpu.VMEM_SHARED((NP, F), jnp.float32),
        pltpu.SemaphoreType.DMA,
        pltpu.SemaphoreType.DMA,
        pltpu.SemaphoreType.DMA,
        pltpu.SemaphoreType.DMA,
    ],
)
def _sc_aggregate(cols_hbm, rows_hbm, y_hbm, zeros_hbm, out_hbm,
                  colv, rowv, yb0, yb1, agg, gs0, gs1, ss0, ss1):
    c = lax.axis_index("c")
    s = lax.axis_index("s")
    pltpu.sync_copy(zeros_hbm, agg.at[pl.ds(s * RPT, RPT)])
    plsc.subcore_barrier()

    ybufs = (yb0, yb1)
    gsems = (gs0, gs1)
    ssems = (ss0, ss1)

    for h in (0, 1):
        pltpu.sync_copy(cols_hbm.at[c, s, pl.ds(h * HCH, HCH)], colv)
        pltpu.sync_copy(rows_hbm.at[c, s, pl.ds(h * HCH, HCH)], rowv)
        pltpu.async_copy(y_hbm.at[colv.at[0]], ybufs[0], gsems[0])

        pltpu.make_async_copy(y_hbm.at[colv.at[0]], ybufs[0], gsems[0]).wait()
        pltpu.async_copy(ybufs[0], agg.at[rowv.at[0]], ssems[0], add=True)
        pltpu.async_copy(y_hbm.at[colv.at[1]], ybufs[1], gsems[1])

        def body(t, carry):
            j = 2 * t + 1
            for b in (1, 0):
                jj = j + (1 - b)
                pltpu.make_async_copy(y_hbm.at[colv.at[jj]], ybufs[b],
                                      gsems[b]).wait()
                pltpu.async_copy(ybufs[b], agg.at[rowv.at[jj]], ssems[b],
                                 add=True)
                pltpu.make_async_copy(ybufs[1 - b], agg.at[rowv.at[jj]],
                                      ssems[1 - b]).wait()
                pltpu.async_copy(y_hbm.at[colv.at[jj + 1]], ybufs[1 - b],
                                 gsems[1 - b])
            return carry

        lax.fori_loop(0, (HCH - 2) // 2, body, 0)
        pltpu.make_async_copy(y_hbm.at[colv.at[HCH - 1]], ybufs[1],
                              gsems[1]).wait()
        pltpu.async_copy(ybufs[1], agg.at[rowv.at[HCH - 1]], ssems[1],
                         add=True)
        pltpu.make_async_copy(ybufs[0], agg.at[rowv.at[HCH - 2]],
                              ssems[0]).wait()
        pltpu.make_async_copy(ybufs[1], agg.at[rowv.at[HCH - 1]],
                              ssems[1]).wait()
    plsc.subcore_barrier()
    pltpu.sync_copy(agg.at[pl.ds(s * RPT, RPT)],
                    out_hbm.at[c, pl.ds(s * RPT, RPT)])


def _tc_scale_body(h0, h1, x, y):
    d = h0[...] + h1[...] + 1.0
    dinv = lax.rsqrt(d)
    y[...] = x[...] * dinv.reshape(BN, 1)


BN = 1000

_tc_scale = pl.pallas_call(
    _tc_scale_body,
    out_shape=jax.ShapeDtypeStruct((N, F), jnp.float32),
    grid=(N // BN,),
    in_specs=[
        pl.BlockSpec((1, BN, 1), lambda i: (0, i, 0)),
        pl.BlockSpec((1, BN, 1), lambda i: (1, i, 0)),
        pl.BlockSpec((BN, F), lambda i: (i, 0)),
    ],
    out_specs=pl.BlockSpec((BN, F), lambda i: (i, 0)),
)


def _tc_final_body(h0, h1, y, a0, a1, w, bias, out):
    d = h0[...] + h1[...] + 1.0
    dinv = lax.rsqrt(d).reshape(BN, 1)
    sagg = (a0[...].reshape(BN, F) + a1[...].reshape(BN, F) + y[...]) * dinv
    z = jnp.dot(sagg, w[...], preferred_element_type=jnp.float32) + bias[...]
    zn = jnp.minimum(z, 0.0)
    out[...] = jnp.where(z > 0, z, jnp.exp(zn) - 1.0)


_tc_final = pl.pallas_call(
    _tc_final_body,
    out_shape=jax.ShapeDtypeStruct((N, F), jnp.float32),
    grid=(N // BN,),
    in_specs=[
        pl.BlockSpec((1, BN, 1), lambda i: (0, i, 0)),
        pl.BlockSpec((1, BN, 1), lambda i: (1, i, 0)),
        pl.BlockSpec((BN, F), lambda i: (i, 0)),
        pl.BlockSpec((1, BN, F), lambda i: (0, i, 0)),
        pl.BlockSpec((1, BN, F), lambda i: (1, i, 0)),
        pl.BlockSpec((F, F), lambda i: (0, 0)),
        pl.BlockSpec((1, F), lambda i: (0, 0)),
    ],
    out_specs=pl.BlockSpec((BN, F), lambda i: (i, 0)),
)


@jax.jit
def kernel(x, edge_index, W, b):
    x2 = x.reshape(N, F)
    rows_r = edge_index[0].reshape(NC, NS, NCH, K)
    cols_r = edge_index[1].reshape(NC, NS, NCH, K)
    rows_c = edge_index[0].reshape(NC, NS, NCHC, KC)
    cols_c = edge_index[1].reshape(NC, NS, NCHC, KC)
    zrow = jnp.zeros((NP,), jnp.float32)
    zagg = jnp.zeros((RPT, F), jnp.float32)

    hist2 = _sc_degree(rows_r, zrow)
    h3 = hist2.reshape(NC, NP, 1)
    y = _tc_scale(h3, h3, x2)
    agg2 = _sc_aggregate(cols_c, rows_c, y, zagg)
    out = _tc_final(h3, h3, y, agg2, agg2, W, b.reshape(1, F))
    return out.reshape(1, N, F)

# --- scband reference (transcript-rebuilt; emitter-appended) ---
"""Pipeline reference for scband-gcnconv-39479339384913 (READ-ONLY COPY).

The authoritative reference and input builder live on the scoring server;
editing this copy changes nothing except your own understanding.
"""

import jax, jax.numpy as jnp
import numpy as np

N = 10000
E = 320000
B = 1
F_IN = 128
F_OUT = 128


def setup_inputs(seed: int = 0) -> dict:
    key = jax.random.key(seed)
    k1, k2, k3, k4 = jax.random.split(key, 4)
    x = jax.random.normal(k1, (B, N, F_IN), dtype=jnp.float32)
    edge_index = jax.random.randint(k2, (2, E), 0, N, dtype=jnp.int32)
    # learned params sized per init_kwargs (trunc_normal std=0.1, bias const 0.1)
    W = jax.random.truncated_normal(k3, -2.0, 2.0, (F_IN, F_OUT), dtype=jnp.float32) * 0.1
    b = jnp.full((F_OUT,), 0.1, dtype=jnp.float32)
    return {"x": x, "edge_index": edge_index, "W": W, "b": b}


def reference(x, edge_index, W, b):
    # A_tilde = A + I : append self-loop edges with weight 1
    row = edge_index[0]
    col = edge_index[1]
    loops = jnp.arange(N, dtype=row.dtype)
    row_t = jnp.concatenate([row, loops])
    col_t = jnp.concatenate([col, loops])
    ones = jnp.ones(row_t.shape[0], dtype=jnp.float32)
    # row sums of A_tilde -> degree
    d = jax.ops.segment_sum(ones, row_t, num_segments=N)
    d_inv_sqrt = jnp.where(d > 0, 1.0 / jnp.sqrt(d), 0.0)
    # edge weights of A_hat = D^{-1/2} A_tilde D^{-1/2}
    w = d_inv_sqrt[row_t] * d_inv_sqrt[col_t]
    # sparse matmul A_hat @ x for each batch element: gather + scatter-add
    msgs = x[:, col_t, :] * w[None, :, None]          # [B, E+N, F_in]
    msgs = jnp.transpose(msgs, (1, 0, 2))             # [E+N, B, F_in]
    agg = jax.ops.segment_sum(msgs, row_t, num_segments=N)  # [N, B, F_in]
    agg = jnp.transpose(agg, (1, 0, 2))               # [B, N, F_in]
    out = agg.reshape(B * N, F_IN) @ W
    out = out + b
    out = out.reshape(B, N, F_OUT)
    out = jax.nn.elu(out)
    return out

if __name__ == "__main__":
    import jax
    _d = setup_inputs()
    print(jax.jit(kernel)(*tuple(_d.values())))

</pallas_src>

<mosaic_0001>
#map = affine_map<(d0, d1) -> (0, 0, 0, 0)>
#map1 = affine_map<(d0, d1) -> (0)>
#map2 = affine_map<(d0, d1) -> (0, 0)>
module attributes {stable_mosaic.version = 14 : i64} {
  func.func @_sc_degree(%arg0: i32, %arg1: i32, %arg2: memref<2x16x125x80xi32, #tpu.memory_space<hbm>>, %arg3: memref<10240xf32, #tpu.memory_space<hbm>>, %arg4: memref<2x10240xf32, #tpu.memory_space<hbm>>, %arg5: memref<125x80xi32, #tpu.memory_space<vmem>>, %arg6: memref<80xf32, #tpu.memory_space<vmem>>, %arg7: memref<10240xf32, #tpu.memory_space<vmem_shared>>, %arg8: memref<!tpu.dma_semaphore, #tpu.memory_space<semaphore_mem>>) attributes {dimension_semantics = [#tpu.dimension_semantics<core_parallel>, #tpu.dimension_semantics<subcore_parallel>], iteration_bounds = array<i64: 2, 16>, scalar_prefetch = 0 : i64, scratch_operands = 4 : i64, tpu.core_type = #tpu.core_type<sc_vector_subcore>, window_params = [{transform_indices = #map}, {transform_indices = #map1}, {transform_indices = #map2}]} {
    %mul3A = arith.constant 640 : i32
    %mul3A_0 = arith.muli %arg1, %mul3A : i32
    %mul3A_1 = arith.constant 640 : i32
    %mul3A_2 = arith.muli %arg1, %mul3A_1 : i32
    "tpu.region"() ({
      %run_scoped3A = tpu.sem_alloc : memref<!tpu.dma_semaphore, #tpu.memory_space<semaphore_mem>>
      %dma_start3A = tpu.memref_slice %arg7[%mul3A_2] : memref<10240xf32, #tpu.memory_space<vmem_shared>> -> memref<640xf32, #tpu.memory_space<vmem_shared>>
      %dma_start3A_41 = tpu.memref_slice %arg3[%mul3A_0] : memref<10240xf32, #tpu.memory_space<hbm>> -> memref<640xf32, #tpu.memory_space<hbm>>
      tpu.enqueue_dma source(%dma_start3A_41 : memref<640xf32, #tpu.memory_space<hbm>>) target(%dma_start3A : memref<640xf32, #tpu.memory_space<vmem_shared>>) target_semaphore(%run_scoped3A : memref<!tpu.dma_semaphore, #tpu.memory_space<semaphore_mem>>)
      %dma_wait3A = tpu.memref_slice %arg7[%mul3A_2] : memref<10240xf32, #tpu.memory_space<vmem_shared>> -> memref<640xf32, #tpu.memory_space<vmem_shared>>
      %dma_wait3A_42 = tpu.memref_slice %arg3[%mul3A_0] : memref<10240xf32, #tpu.memory_space<hbm>> -> memref<640xf32, #tpu.memory_space<hbm>>
      tpu.wait_dma2 semaphore(%run_scoped3A : memref<!tpu.dma_semaphore, #tpu.memory_space<semaphore_mem>>) src(%dma_wait3A_42 : memref<640xf32, #tpu.memory_space<hbm>>) dst(%dma_wait3A : memref<640xf32, #tpu.memory_space<vmem_shared>>)
      tpu.yield
    }) : () -> ()
    "tpu.region"() ({
      %run_scoped3A = tpu.sem_alloc : memref<!tpu.dma_semaphore, #tpu.memory_space<semaphore_mem>>
      %dma_start3A = arith.constant 0 : i32
      %dma_start3A_41 = arith.constant 0 : i32
      %dma_start3A_42 = tpu.memref_slice %arg2[%arg0, %arg1, %dma_start3A, %dma_start3A_41] : memref<2x16x125x80xi32, #tpu.memory_space<hbm>> -> memref<1x1x125x80xi32, #tpu.memory_space<hbm>>
      %dma_start3A_43 = tpu.memref_squeeze %dma_start3A_42 : memref<1x1x125x80xi32, #tpu.memory_space<hbm>> -> memref<125x80xi32, #tpu.memory_space<hbm>>
      %dma_start3A_44 = arith.constant 0 : i32
      %dma_start3A_45 = arith.constant 0 : i32
      %dma_start3A_46 = tpu.memref_slice %arg2[%arg0, %arg1, %dma_start3A_44, %dma_start3A_45] : memref<2x16x125x80xi32, #tpu.memory_space<hbm>> -> memref<1x1x125x80xi32, #tpu.memory_space<hbm>>
      %dma_start3A_47 = tpu.memref_squeeze %dma_start3A_46 : memref<1x1x125x80xi32, #tpu.memory_space<hbm>> -> memref<125x80xi32, #tpu.memory_space<hbm>>
      tpu.enqueue_dma source(%dma_start3A_47 : memref<125x80xi32, #tpu.memory_space<hbm>>) target(%arg5 : memref<125x80xi32, #tpu.memory_space<vmem>>) target_semaphore(%run_scoped3A : memref<!tpu.dma_semaphore, #tpu.memory_space<semaphore_mem>>)
      %dma_wait3A = arith.constant 0 : i32
      %dma_wait3A_48 = arith.constant 0 : i32
      %dma_wait3A_49 = tpu.memref_slice %arg2[%arg0, %arg1, %dma_wait3A, %dma_wait3A_48] : memref<2x16x125x80xi32, #tpu.memory_space<hbm>> -> memref<1x1x125x80xi32, #tpu.memory_space<hbm>>
      %dma_wait3A_50 = tpu.memref_squeeze %dma_wait3A_49 : memref<1x1x125x80xi32, #tpu.memory_space<hbm>> -> memref<125x80xi32, #tpu.memory_space<hbm>>
      %dma_wait3A_51 = arith.constant 0 : i32
      %dma_wait3A_52 = arith.constant 0 : i32
      %dma_wait3A_53 = tpu.memref_slice %arg2[%arg0, %arg1, %dma_wait3A_51, %dma_wait3A_52] : memref<2x16x125x80xi32, #tpu.memory_space<hbm>> -> memref<1x1x125x80xi32, #tpu.memory_space<hbm>>
      %dma_wait3A_54 = tpu.memref_squeeze %dma_wait3A_53 : memref<1x1x125x80xi32, #tpu.memory_space<hbm>> -> memref<125x80xi32, #tpu.memory_space<hbm>>
      tpu.wait_dma2 semaphore(%run_scoped3A : memref<!tpu.dma_semaphore, #tpu.memory_space<semaphore_mem>>) src(%dma_wait3A_54 : memref<125x80xi32, #tpu.memory_space<hbm>>) dst(%arg5 : memref<125x80xi32, #tpu.memory_space<vmem>>)
      tpu.yield
    }) : () -> ()
    %broadcast_in_dim3A = arith.constant 1.000000e+00 : f32
    %broadcast_in_dim3A_3 = vector.broadcast %broadcast_in_dim3A : f32 to vector<16xf32>
    %swap3A = arith.constant 0 : index
    %swap3A_4 = tpu.vector_load %arg6[%swap3A] {strides = array<i32>} : memref<80xf32, #tpu.memory_space<vmem>>, vector<16xf32>,
    %swap3A_5 = vector.shape_cast %swap3A_4 : vector<16xf32> to vector<16xf32>
    %swap3A_6 = vector.shape_cast %broadcast_in_dim3A_3 : vector<16xf32> to vector<16xf32>
    tpu.vector_store %arg6[%swap3A], %swap3A_6 {strides = array<i32>} : memref<80xf32, #tpu.memory_space<vmem>>, vector<16xf32>,
    %broadcast_in_dim3A_7 = arith.constant 1.000000e+00 : f32
    %broadcast_in_dim3A_8 = vector.broadcast %broadcast_in_dim3A_7 : f32 to vector<16xf32>
    %swap3A_9 = arith.constant 16 : index
    %swap3A_10 = tpu.vector_load %arg6[%swap3A_9] {strides = array<i32>} : memref<80xf32, #tpu.memory_space<vmem>>, vector<16xf32>,
    %swap3A_11 = vector.shape_cast %swap3A_10 : vector<16xf32> to vector<16xf32>
    %swap3A_12 = vector.shape_cast %broadcast_in_dim3A_8 : vector<16xf32> to vector<16xf32>
    tpu.vector_store %arg6[%swap3A_9], %swap3A_12 {strides = array<i32>} : memref<80xf32, #tpu.memory_space<vmem>>, vector<16xf32>,
    %broadcast_in_dim3A_13 = arith.constant 1.000000e+00 : f32
    %broadcast_in_dim3A_14 = vector.broadcast %broadcast_in_dim3A_13 : f32 to vector<16xf32>
    %swap3A_15 = arith.constant 32 : index
    %swap3A_16 = tpu.vector_load %arg6[%swap3A_15] {strides = array<i32>} : memref<80xf32, #tpu.memory_space<vmem>>, vector<16xf32>,
    %swap3A_17 = vector.shape_cast %swap3A_16 : vector<16xf32> to vector<16xf32>
    %swap3A_18 = vector.shape_cast %broadcast_in_dim3A_14 : vector<16xf32> to vector<16xf32>
    tpu.vector_store %arg6[%swap3A_15], %swap3A_18 {strides = array<i32>} : memref<80xf32, #tpu.memory_space<vmem>>, vector<16xf32>,
    %broadcast_in_dim3A_19 = arith.constant 1.000000e+00 : f32
    %broadcast_in_dim3A_20 = vector.broadcast %broadcast_in_dim3A_19 : f32 to vector<16xf32>
    %swap3A_21 = arith.constant 48 : index
    %swap3A_22 = tpu.vector_load %arg6[%swap3A_21] {strides = array<i32>} : memref<80xf32, #tpu.memory_space<vmem>>, vector<16xf32>,
    %swap3A_23 = vector.shape_cast %swap3A_22 : vector<16xf32> to vector<16xf32>
    %swap3A_24 = vector.shape_cast %broadcast_in_dim3A_20 : vector<16xf32> to vector<16xf32>
    tpu.vector_store %arg6[%swap3A_21], %swap3A_24 {strides = array<i32>} : memref<80xf32, #tpu.memory_space<vmem>>, vector<16xf32>,
    %broadcast_in_dim3A_25 = arith.constant 1.000000e+00 : f32
    %broadcast_in_dim3A_26 = vector.broadcast %broadcast_in_dim3A_25 : f32 to vector<16xf32>
    %swap3A_27 = arith.constant 64 : index
    %swap3A_28 = tpu.vector_load %arg6[%swap3A_27] {strides = array<i32>} : memref<80xf32, #tpu.memory_space<vmem>>, vector<16xf32>,
    %swap3A_29 = vector.shape_cast %swap3A_28 : vector<16xf32> to vector<16xf32>
    %swap3A_30 = vector.shape_cast %broadcast_in_dim3A_26 : vector<16xf32> to vector<16xf32>
    tpu.vector_store %arg6[%swap3A_27], %swap3A_30 {strides = array<i32>} : memref<80xf32, #tpu.memory_space<vmem>>, vector<16xf32>,
    %barrier3A = arith.constant 0 : index
    tpu.barrier barrier_id(%barrier3A)
    %scan3A = arith.constant 0 : i32
    %scan3A_31 = arith.constant 0 : i32
    %scan3A_32 = arith.constant 125 : i32
    %scan3A_33 = arith.addi %scan3A_31, %scan3A_32 : i32
    %scan3A_34 = arith.constant 1 : i32
    scf.for %scan3A_41 = %scan3A_31 to %scan3A_33 step %scan3A_34  : i32 {
      "tpu.region"() ({
        %run_scoped3A = tpu.sem_alloc : memref<!tpu.dma_semaphore, #tpu.memory_space<semaphore_mem>>
        %dma_start3A = arith.constant 0 : i32
        %dma_start3A_42 = tpu.memref_slice %arg5[%scan3A_41, %dma_start3A] : memref<125x80xi32, #tpu.memory_space<vmem>> -> memref<1x80xi32, #tpu.memory_space<vmem>>
        %dma_start3A_43 = tpu.memref_squeeze %dma_start3A_42 : memref<1x80xi32, #tpu.memory_space<vmem>> -> memref<80xi32, #tpu.memory_space<vmem>>
        %dma_start3A_44 = arith.constant 0 : i32
        %dma_start3A_45 = tpu.memref_slice %arg7[%dma_start3A_44] : memref<10240xf32, #tpu.memory_space<vmem_shared>> -> memref<10240xf32, #tpu.memory_space<vmem_shared>>
        tpu.enqueue_indirect_dma source(%arg6 : memref<80xf32, #tpu.memory_space<vmem>>) target(%dma_start3A_45 : memref<10240xf32, #tpu.memory_space<vmem_shared>>) offsets(%dma_start3A_43 : memref<80xi32, #tpu.memory_space<vmem>>) semaphore(%run_scoped3A : memref<!tpu.dma_semaphore, #tpu.memory_space<semaphore_mem>>) {add = true}
        %dma_wait3A = arith.constant 0 : i32
        %dma_wait3A_46 = tpu.memref_slice %arg5[%scan3A_41, %dma_wait3A] : memref<125x80xi32, #tpu.memory_space<vmem>> -> memref<1x80xi32, #tpu.memory_space<vmem>>
        %dma_wait3A_47 = tpu.memref_squeeze %dma_wait3A_46 : memref<1x80xi32, #tpu.memory_space<vmem>> -> memref<80xi32, #tpu.memory_space<vmem>>
        %dma_wait3A_48 = arith.constant 0 : i32
        %dma_wait3A_49 = tpu.memref_slice %arg7[%dma_wait3A_48] : memref<10240xf32, #tpu.memory_space<vmem_shared>> -> memref<10240xf32, #tpu.memory_space<vmem_shared>>
        tpu.wait_indirect_dma semaphore(%run_scoped3A : memref<!tpu.dma_semaphore, #tpu.memory_space<semaphore_mem>>) src(%arg6 : memref<80xf32, #tpu.memory_space<vmem>>) dst(%dma_wait3A_49 : memref<10240xf32, #tpu.memory_space<vmem_shared>>)
        tpu.yield
      }) : () -> ()
    }
    %scan3A_35 = arith.constant 125 : i32
    %barrier3A_36 = arith.constant 0 : index
    tpu.barrier barrier_id(%barrier3A_36)
    %mul3A_37 = arith.constant 640 : i32
    %mul3A_38 = arith.muli %arg1, %mul3A_37 : i32
    %mul3A_39 = arith.constant 640 : i32
    %mul3A_40 = arith.muli %arg1, %mul3A_39 : i32
    "tpu.region"() ({
      %run_scoped3A = tpu.sem_alloc : memref<!tpu.dma_semaphore, #tpu.memory_space<semaphore_mem>>
      %dma_start3A = tpu.memref_slice %arg4[%arg0, %mul3A_40] : memref<2x10240xf32, #tpu.memory_space<hbm>> -> memref<1x640xf32, #tpu.memory_space<hbm>>
      %dma_start3A_41 = tpu.memref_squeeze %dma_start3A : memref<1x640xf32, #tpu.memory_space<hbm>> -> memref<640xf32, #tpu.memory_space<hbm>>
      %dma_start3A_42 = tpu.memref_slice %arg7[%mul3A_38] : memref<10240xf32, #tpu.memory_space<vmem_shared>> -> memref<640xf32, #tpu.memory_space<vmem_shared>>
      tpu.enqueue_dma source(%dma_start3A_42 : memref<640xf32, #tpu.memory_space<vmem_shared>>) target(%dma_start3A_41 : memref<640xf32, #tpu.memory_space<hbm>>) target_semaphore(%run_scoped3A : memref<!tpu.dma_semaphore, #tpu.memory_space<semaphore_mem>>)
      %dma_wait3A = tpu.memref_slice %arg4[%arg0, %mul3A_40] : memref<2x10240xf32, #tpu.memory_space<hbm>> -> memref<1x640xf32, #tpu.memory_space<hbm>>
      %dma_wait3A_43 = tpu.memref_squeeze %dma_wait3A : memref<1x640xf32, #tpu.memory_space<hbm>> -> memref<640xf32, #tpu.memory_space<hbm>>
      %dma_wait3A_44 = tpu.memref_slice %arg7[%mul3A_38] : memref<10240xf32, #tpu.memory_space<vmem_shared>> -> memref<640xf32, #tpu.memory_space<vmem_shared>>
      tpu.wait_dma2 semaphore(%run_scoped3A : memref<!tpu.dma_semaphore, #tpu.memory_space<semaphore_mem>>) src(%dma_wait3A_44 : memref<640xf32, #tpu.memory_space<vmem_shared>>) dst(%dma_wait3A_43 : memref<640xf32, #tpu.memory_space<hbm>>)
      tpu.yield
    }) : () -> ()
    return
  }
}

#map = affine_map<(d0, d1) -> (0, 0, 0, 0)>
#map1 = affine_map<(d0, d1) -> (0, 0)>
#map2 = affine_map<(d0, d1) -> (0, 0, 0)>
module attributes {stable_mosaic.version = 14 : i64} {
  func.func @_sc_aggregate(%arg0: i32, %arg1: i32, %arg2: memref<2x16x80x125xi32, #tpu.memory_space<hbm>>, %arg3: memref<2x16x80x125xi32, #tpu.memory_space<hbm>>, %arg4: memref<10000x128xf32, #tpu.memory_space<hbm>>, %arg5: memref<640x128xf32, #tpu.memory_space<hbm>>, %arg6: memref<2x10240x128xf32, #tpu.memory_space<hbm>>, %arg7: memref<40x125xi32, #tpu.memory_space<vmem>>, %arg8: memref<40x125xi32, #tpu.memory_space<vmem>>, %arg9: memref<125x128xf32, #tpu.memory_space<vmem>>, %arg10: memref<125x128xf32, #tpu.memory_space<vmem>>, %arg11: memref<10240x128xf32, #tpu.memory_space<vmem_shared>>, %arg12: memref<!tpu.dma_semaphore, #tpu.memory_space<semaphore_mem>>, %arg13: memref<!tpu.dma_semaphore, #tpu.memory_space<semaphore_mem>>, %arg14: memref<!tpu.dma_semaphore, #tpu.memory_space<semaphore_mem>>, %arg15: memref<!tpu.dma_semaphore, #tpu.memory_space<semaphore_mem>>) attributes {dimension_semantics = [#tpu.dimension_semantics<core_parallel>, #tpu.dimension_semantics<subcore_parallel>], iteration_bounds = array<i64: 2, 16>, scalar_prefetch = 0 : i64, scratch_operands = 9 : i64, tpu.core_type = #tpu.core_type<sc_vector_subcore>, window_params = [{transform_indices = #map}, {transform_indices = #map}, {transform_indices = #map1}, {transform_indices = #map1}, {transform_indices = #map2}]} {
    %mul3A = arith.constant 640 : i32
    %mul3A_0 = arith.muli %arg1, %mul3A : i32
    "tpu.region"() ({
      %run_scoped3A = tpu.sem_alloc : memref<!tpu.dma_semaphore, #tpu.memory_space<semaphore_mem>>
      %dma_start3A_127 = arith.constant 0 : i32
      %dma_start3A_128 = tpu.memref_slice %arg11[%mul3A_0, %dma_start3A_127] : memref<10240x128xf32, #tpu.memory_space<vmem_shared>> -> memref<640x128xf32, #tpu.memory_space<vmem_shared>>
      tpu.enqueue_dma source(%arg5 : memref<640x128xf32, #tpu.memory_space<hbm>>) target(%dma_start3A_128 : memref<640x128xf32, #tpu.memory_space<vmem_shared>>) target_semaphore(%run_scoped3A : memref<!tpu.dma_semaphore, #tpu.memory_space<semaphore_mem>>)
      %dma_wait3A_129 = arith.constant 0 : i32
      %dma_wait3A_130 = tpu.memref_slice %arg11[%mul3A_0, %dma_wait3A_129] : memref<10240x128xf32, #tpu.memory_space<vmem_shared>> -> memref<640x128xf32, #tpu.memory_space<vmem_shared>>
      tpu.wait_dma2 semaphore(%run_scoped3A : memref<!tpu.dma_semaphore, #tpu.memory_space<semaphore_mem>>) src(%arg5 : memref<640x128xf32, #tpu.memory_space<hbm>>) dst(%dma_wait3A_130 : memref<640x128xf32, #tpu.memory_space<vmem_shared>>)
      tpu.yield
    }) : () -> ()
    %barrier3A = arith.constant 0 : index
    tpu.barrier barrier_id(%barrier3A)
    "tpu.region"() ({
      %run_scoped3A = tpu.sem_alloc : memref<!tpu.dma_semaphore, #tpu.memory_space<semaphore_mem>>
      %dma_start3A_127 = arith.constant 0 : i32
      %dma_start3A_128 = arith.constant 0 : i32
      %dma_start3A_129 = tpu.memref_slice %arg2[%arg0, %arg1, %dma_start3A_127, %dma_start3A_128] : memref<2x16x80x125xi32, #tpu.memory_space<hbm>> -> memref<1x1x40x125xi32, #tpu.memory_space<hbm>>
      %dma_start3A_130 = tpu.memref_squeeze %dma_start3A_129 : memref<1x1x40x125xi32, #tpu.memory_space<hbm>> -> memref<40x125xi32, #tpu.memory_space<hbm>>
      %dma_start3A_131 = arith.constant 0 : i32
      %dma_start3A_132 = arith.constant 0 : i32
      %dma_start3A_133 = tpu.memref_slice %arg2[%arg0, %arg1, %dma_start3A_131, %dma_start3A_132] : memref<2x16x80x125xi32, #tpu.memory_space<hbm>> -> memref<1x1x40x125xi32, #tpu.memory_space<hbm>>
      %dma_start3A_134 = tpu.memref_squeeze %dma_start3A_133 : memref<1x1x40x125xi32, #tpu.memory_space<hbm>> -> memref<40x125xi32, #tpu.memory_space<hbm>>
      tpu.enqueue_dma source(%dma_start3A_134 : memref<40x125xi32, #tpu.memory_space<hbm>>) target(%arg7 : memref<40x125xi32, #tpu.memory_space<vmem>>) target_semaphore(%run_scoped3A : memref<!tpu.dma_semaphore, #tpu.memory_space<semaphore_mem>>)
      %dma_wait3A_135 = arith.constant 0 : i32
      %dma_wait3A_136 = arith.constant 0 : i32
      %dma_wait3A_137 = tpu.memref_slice %arg2[%arg0, %arg1, %dma_wait3A_135, %dma_wait3A_136] : memref<2x16x80x125xi32, #tpu.memory_space<hbm>> -> memref<1x1x40x125xi32, #tpu.memory_space<hbm>>
      %dma_wait3A_138 = tpu.memref_squeeze %dma_wait3A_137 : memref<1x1x40x125xi32, #tpu.memory_space<hbm>> -> memref<40x125xi32, #tpu.memory_space<hbm>>
      %dma_wait3A_139 = arith.constant 0 : i32
      %dma_wait3A_140 = arith.constant 0 : i32
      %dma_wait3A_141 = tpu.memref_slice %arg2[%arg0, %arg1, %dma_wait3A_139, %dma_wait3A_140] : memref<2x16x80x125xi32, #tpu.memory_space<hbm>> -> memref<1x1x40x125xi32, #tpu.memory_space<hbm>>
      %dma_wait3A_142 = tpu.memref_squeeze %dma_wait3A_141 : memref<1x1x40x125xi32, #tpu.memory_space<hbm>> -> memref<40x125xi32, #tpu.memory_space<hbm>>
      tpu.wait_dma2 semaphore(%run_scoped3A : memref<!tpu.dma_semaphore, #tpu.memory_space<semaphore_mem>>) src(%dma_wait3A_142 : memref<40x125xi32, #tpu.memory_space<hbm>>) dst(%arg7 : memref<40x125xi32, #tpu.memory_space<vmem>>)
      tpu.yield
    }) : () -> ()
    "tpu.region"() ({
      %run_scoped3A = tpu.sem_alloc : memref<!tpu.dma_semaphore, #tpu.memory_space<semaphore_mem>>
      %dma_start3A_127 = arith.constant 0 : i32
      %dma_start3A_128 = arith.constant 0 : i32
      %dma_start3A_129 = tpu.memref_slice %arg3[%arg0, %arg1, %dma_start3A_127, %dma_start3A_128] : memref<2x16x80x125xi32, #tpu.memory_space<hbm>> -> memref<1x1x40x125xi32, #tpu.memory_space<hbm>>
      %dma_start3A_130 = tpu.memref_squeeze %dma_start3A_129 : memref<1x1x40x125xi32, #tpu.memory_space<hbm>> -> memref<40x125xi32, #tpu.memory_space<hbm>>
      %dma_start3A_131 = arith.constant 0 : i32
      %dma_start3A_132 = arith.constant 0 : i32
      %dma_start3A_133 = tpu.memref_slice %arg3[%arg0, %arg1, %dma_start3A_131, %dma_start3A_132] : memref<2x16x80x125xi32, #tpu.memory_space<hbm>> -> memref<1x1x40x125xi32, #tpu.memory_space<hbm>>
      %dma_start3A_134 = tpu.memref_squeeze %dma_start3A_133 : memref<1x1x40x125xi32, #tpu.memory_space<hbm>> -> memref<40x125xi32, #tpu.memory_space<hbm>>
      tpu.enqueue_dma source(%dma_start3A_134 : memref<40x125xi32, #tpu.memory_space<hbm>>) target(%arg8 : memref<40x125xi32, #tpu.memory_space<vmem>>) target_semaphore(%run_scoped3A : memref<!tpu.dma_semaphore, #tpu.memory_space<semaphore_mem>>)
      %dma_wait3A_135 = arith.constant 0 : i32
      %dma_wait3A_136 = arith.constant 0 : i32
      %dma_wait3A_137 = tpu.memref_slice %arg3[%arg0, %arg1, %dma_wait3A_135, %dma_wait3A_136] : memref<2x16x80x125xi32, #tpu.memory_space<hbm>> -> memref<1x1x40x125xi32, #tpu.memory_space<hbm>>
      %dma_wait3A_138 = tpu.memref_squeeze %dma_wait3A_137 : memref<1x1x40x125xi32, #tpu.memory_space<hbm>> -> memref<40x125xi32, #tpu.memory_space<hbm>>
      %dma_wait3A_139 = arith.constant 0 : i32
      %dma_wait3A_140 = arith.constant 0 : i32
      %dma_wait3A_141 = tpu.memref_slice %arg3[%arg0, %arg1, %dma_wait3A_139, %dma_wait3A_140] : memref<2x16x80x125xi32, #tpu.memory_space<hbm>> -> memref<1x1x40x125xi32, #tpu.memory_space<hbm>>
      %dma_wait3A_142 = tpu.memref_squeeze %dma_wait3A_141 : memref<1x1x40x125xi32, #tpu.memory_space<hbm>> -> memref<40x125xi32, #tpu.memory_space<hbm>>
      tpu.wait_dma2 semaphore(%run_scoped3A : memref<!tpu.dma_semaphore, #tpu.memory_space<semaphore_mem>>) src(%dma_wait3A_142 : memref<40x125xi32, #tpu.memory_space<hbm>>) dst(%arg8 : memref<40x125xi32, #tpu.memory_space<vmem>>)
      tpu.yield
    }) : () -> ()
    %dma_start3A = arith.constant 0 : i32
    %dma_start3A_1 = arith.constant 0 : i32
    %dma_start3A_2 = tpu.memref_slice %arg7[%dma_start3A, %dma_start3A_1] : memref<40x125xi32, #tpu.memory_space<vmem>> -> memref<1x125xi32, #tpu.memory_space<vmem>>
    %dma_start3A_3 = tpu.memref_squeeze %dma_start3A_2 : memref<1x125xi32, #tpu.memory_space<vmem>> -> memref<125xi32, #tpu.memory_space<vmem>>
    %dma_start3A_4 = arith.constant 0 : i32
    %dma_start3A_5 = arith.constant 0 : i32
    %dma_start3A_6 = tpu.memref_slice %arg4[%dma_start3A_4, %dma_start3A_5] : memref<10000x128xf32, #tpu.memory_space<hbm>> -> memref<10000x128xf32, #tpu.memory_space<hbm>>
    tpu.enqueue_indirect_dma source(%dma_start3A_6 : memref<10000x128xf32, #tpu.memory_space<hbm>>) target(%arg9 : memref<125x128xf32, #tpu.memory_space<vmem>>) offsets(%dma_start3A_3 : memref<125xi32, #tpu.memory_space<vmem>>) semaphore(%arg12 : memref<!tpu.dma_semaphore, #tpu.memory_space<semaphore_mem>>)
    %dma_wait3A = arith.constant 0 : i32
    %dma_wait3A_7 = arith.constant 0 : i32
    %dma_wait3A_8 = tpu.memref_slice %arg7[%dma_wait3A, %dma_wait3A_7] : memref<40x125xi32, #tpu.memory_space<vmem>> -> memref<1x125xi32, #tpu.memory_space<vmem>>
    %dma_wait3A_9 = tpu.memref_squeeze %dma_wait3A_8 : memref<1x125xi32, #tpu.memory_space<vmem>> -> memref<125xi32, #tpu.memory_space<vmem>>
    %dma_wait3A_10 = arith.constant 0 : i32
    %dma_wait3A_11 = arith.constant 0 : i32
    %dma_wait3A_12 = tpu.memref_slice %arg4[%dma_wait3A_10, %dma_wait3A_11] : memref<10000x128xf32, #tpu.memory_space<hbm>> -> memref<10000x128xf32, #tpu.memory_space<hbm>>
    tpu.wait_indirect_dma semaphore(%arg12 : memref<!tpu.dma_semaphore, #tpu.memory_space<semaphore_mem>>) src(%dma_wait3A_12 : memref<10000x128xf32, #tpu.memory_space<hbm>>) dst(%arg9 : memref<125x128xf32, #tpu.memory_space<vmem>>)
    %dma_start3A_13 = arith.constant 0 : i32
    %dma_start3A_14 = arith.constant 0 : i32
    %dma_start3A_15 = tpu.memref_slice %arg8[%dma_start3A_13, %dma_start3A_14] : memref<40x125xi32, #tpu.memory_space<vmem>> -> memref<1x125xi32, #tpu.memory_space<vmem>>
    %dma_start3A_16 = tpu.memref_squeeze %dma_start3A_15 : memref<1x125xi32, #tpu.memory_space<vmem>> -> memref<125xi32, #tpu.memory_space<vmem>>
    %dma_start3A_17 = arith.constant 0 : i32
    %dma_start3A_18 = arith.constant 0 : i32
    %dma_start3A_19 = tpu.memref_slice %arg11[%dma_start3A_17, %dma_start3A_18] : memref<10240x128xf32, #tpu.memory_space<vmem_shared>> -> memref<10240x128xf32, #tpu.memory_space<vmem_shared>>
    tpu.enqueue_indirect_dma source(%arg9 : memref<125x128xf32, #tpu.memory_space<vmem>>) target(%dma_start3A_19 : memref<10240x128xf32, #tpu.memory_space<vmem_shared>>) offsets(%dma_start3A_16 : memref<125xi32, #tpu.memory_space<vmem>>) semaphore(%arg14 : memref<!tpu.dma_semaphore, #tpu.memory_space<semaphore_mem>>) {add = true}
    %dma_start3A_20 = arith.constant 1 : i32
    %dma_start3A_21 = arith.constant 0 : i32
    %dma_start3A_22 = tpu.memref_slice %arg7[%dma_start3A_20, %dma_start3A_21] : memref<40x125xi32, #tpu.memory_space<vmem>> -> memref<1x125xi32, #tpu.memory_space<vmem>>
    %dma_start3A_23 = tpu.memref_squeeze %dma_start3A_22 : memref<1x125xi32, #tpu.memory_space<vmem>> -> memref<125xi32, #tpu.memory_space<vmem>>
    %dma_start3A_24 = arith.constant 0 : i32
    %dma_start3A_25 = arith.constant 0 : i32
    %dma_start3A_26 = tpu.memref_slice %arg4[%dma_start3A_24, %dma_start3A_25] : memref<10000x128xf32, #tpu.memory_space<hbm>> -> memref<10000x128xf32, #tpu.memory_space<hbm>>
    tpu.enqueue_indirect_dma source(%dma_start3A_26 : memref<10000x128xf32, #tpu.memory_space<hbm>>) target(%arg10 : memref<125x128xf32, #tpu.memory_space<vmem>>) offsets(%dma_start3A_23 : memref<125xi32, #tpu.memory_space<vmem>>) semaphore(%arg13 : memref<!tpu.dma_semaphore, #tpu.memory_space<semaphore_mem>>)
    %scan3A = arith.constant 0 : i32
    %scan3A_27 = arith.constant 0 : i32
    %scan3A_28 = arith.constant 19 : i32
    %scan3A_29 = arith.addi %scan3A_27, %scan3A_28 : i32
    %scan3A_30 = arith.constant 1 : i32
    scf.for %scan3A_127 = %scan3A_27 to %scan3A_29 step %scan3A_30  : i32 {
      %mul3A_128 = arith.constant 2 : i32
      %mul3A_129 = arith.muli %mul3A_128, %scan3A_127 : i32
      %add3A = arith.constant 1 : i32
      %add3A_130 = arith.addi %mul3A_129, %add3A : i32
      %add3A_131 = arith.constant 0 : i32
      %add3A_132 = arith.addi %add3A_130, %add3A_131 : i32
      %dma_wait3A_133 = arith.constant 0 : i32
      %dma_wait3A_134 = tpu.memref_slice %arg7[%add3A_132, %dma_wait3A_133] : memref<40x125xi32, #tpu.memory_space<vmem>> -> memref<1x125xi32, #tpu.memory_space<vmem>>
      %dma_wait3A_135 = tpu.memref_squeeze %dma_wait3A_134 : memref<1x125xi32, #tpu.memory_space<vmem>> -> memref<125xi32, #tpu.memory_space<vmem>>
      %dma_wait3A_136 = arith.constant 0 : i32
      %dma_wait3A_137 = arith.constant 0 : i32
      %dma_wait3A_138 = tpu.memref_slice %arg4[%dma_wait3A_136, %dma_wait3A_137] : memref<10000x128xf32, #tpu.memory_space<hbm>> -> memref<10000x128xf32, #tpu.memory_space<hbm>>
      tpu.wait_indirect_dma semaphore(%arg13 : memref<!tpu.dma_semaphore, #tpu.memory_space<semaphore_mem>>) src(%dma_wait3A_138 : memref<10000x128xf32, #tpu.memory_space<hbm>>) dst(%arg10 : memref<125x128xf32, #tpu.memory_space<vmem>>)
      %dma_start3A_139 = arith.constant 0 : i32
      %dma_start3A_140 = tpu.memref_slice %arg8[%add3A_132, %dma_start3A_139] : memref<40x125xi32, #tpu.memory_space<vmem>> -> memref<1x125xi32, #tpu.memory_space<vmem>>
      %dma_start3A_141 = tpu.memref_squeeze %dma_start3A_140 : memref<1x125xi32, #tpu.memory_space<vmem>> -> memref<125xi32, #tpu.memory_space<vmem>>
      %dma_start3A_142 = arith.constant 0 : i32
      %dma_start3A_143 = arith.constant 0 : i32
      %dma_start3A_144 = tpu.memref_slice %arg11[%dma_start3A_142, %dma_start3A_143] : memref<10240x128xf32, #tpu.memory_space<vmem_shared>> -> memref<10240x128xf32, #tpu.memory_space<vmem_shared>>
      tpu.enqueue_indirect_dma source(%arg10 : memref<125x128xf32, #tpu.memory_space<vmem>>) target(%dma_start3A_144 : memref<10240x128xf32, #tpu.memory_space<vmem_shared>>) offsets(%dma_start3A_141 : memref<125xi32, #tpu.memory_space<vmem>>) semaphore(%arg15 : memref<!tpu.dma_semaphore, #tpu.memory_space<semaphore_mem>>) {add = true}
      %dma_wait3A_145 = arith.constant 0 : i32
      %dma_wait3A_146 = tpu.memref_slice %arg8[%add3A_132, %dma_wait3A_145] : memref<40x125xi32, #tpu.memory_space<vmem>> -> memref<1x125xi32, #tpu.memory_space<vmem>>
      %dma_wait3A_147 = tpu.memref_squeeze %dma_wait3A_146 : memref<1x125xi32, #tpu.memory_space<vmem>> -> memref<125xi32, #tpu.memory_space<vmem>>
      %dma_wait3A_148 = arith.constant 0 : i32
      %dma_wait3A_149 = arith.constant 0 : i32
      %dma_wait3A_150 = tpu.memref_slice %arg11[%dma_wait3A_148, %dma_wait3A_149] : memref<10240x128xf32, #tpu.memory_space<vmem_shared>> -> memref<10240x128xf32, #tpu.memory_space<vmem_shared>>
      tpu.wait_indirect_dma semaphore(%arg14 : memref<!tpu.dma_semaphore, #tpu.memory_space<semaphore_mem>>) src(%arg9 : memref<125x128xf32, #tpu.memory_space<vmem>>) dst(%dma_wait3A_150 : memref<10240x128xf32, #tpu.memory_space<vmem_shared>>)
      %add3A_151 = arith.constant 1 : i32
      %add3A_152 = arith.addi %add3A_132, %add3A_151 : i32
      %dma_start3A_153 = arith.constant 0 : i32
      %dma_start3A_154 = tpu.memref_slice %arg7[%add3A_152, %dma_start3A_153] : memref<40x125xi32, #tpu.memory_space<vmem>> -> memref<1x125xi32, #tpu.memory_space<vmem>>
      %dma_start3A_155 = tpu.memref_squeeze %dma_start3A_154 : memref<1x125xi32, #tpu.memory_space<vmem>> -> memref<125xi32, #tpu.memory_space<vmem>>
      %dma_start3A_156 = arith.constant 0 : i32
      %dma_start3A_157 = arith.constant 0 : i32
      %dma_start3A_158 = tpu.memref_slice %arg4[%dma_start3A_156, %dma_start3A_157] : memref<10000x128xf32, #tpu.memory_space<hbm>> -> memref<10000x128xf32, #tpu.memory_space<hbm>>
      tpu.enqueue_indirect_dma source(%dma_start3A_158 : memref<10000x128xf32, #tpu.memory_space<hbm>>) target(%arg9 : memref<125x128xf32, #tpu.memory_space<vmem>>) offsets(%dma_start3A_155 : memref<125xi32, #tpu.memory_space<vmem>>) semaphore(%arg12 : memref<!tpu.dma_semaphore, #tpu.memory_space<semaphore_mem>>)
      %add3A_159 = arith.constant 1 : i32
      %add3A_160 = arith.addi %add3A_130, %add3A_159 : i32
      %dma_wait3A_161 = arith.constant 0 : i32
      %dma_wait3A_162 = tpu.memref_slice %arg7[%add3A_160, %dma_wait3A_161] : memref<40x125xi32, #tpu.memory_space<vmem>> -> memref<1x125xi32, #tpu.memory_space<vmem>>
      %dma_wait3A_163 = tpu.memref_squeeze %dma_wait3A_162 : memref<1x125xi32, #tpu.memory_space<vmem>> -> memref<125xi32, #tpu.memory_space<vmem>>
      %dma_wait3A_164 = arith.constant 0 : i32
      %dma_wait3A_165 = arith.constant 0 : i32
      %dma_wait3A_166 = tpu.memref_slice %arg4[%dma_wait3A_164, %dma_wait3A_165] : memref<10000x128xf32, #tpu.memory_space<hbm>> -> memref<10000x128xf32, #tpu.memory_space<hbm>>
      tpu.wait_indirect_dma semaphore(%arg12 : memref<!tpu.dma_semaphore, #tpu.memory_space<semaphore_mem>>) src(%dma_wait3A_166 : memref<10000x128xf32, #tpu.memory_space<hbm>>) dst(%arg9 : memref<125x128xf32, #tpu.memory_space<vmem>>)
      %dma_start3A_167 = arith.constant 0 : i32
      %dma_start3A_168 = tpu.memref_slice %arg8[%add3A_160, %dma_start3A_167] : memref<40x125xi32, #tpu.memory_space<vmem>> -> memref<1x125xi32, #tpu.memory_space<vmem>>
      %dma_start3A_169 = tpu.memref_squeeze %dma_start3A_168 : memref<1x125xi32, #tpu.memory_space<vmem>> -> memref<125xi32, #tpu.memory_space<vmem>>
      %dma_start3A_170 = arith.constant 0 : i32
      %dma_start3A_171 = arith.constant 0 : i32
      %dma_start3A_172 = tpu.memref_slice %arg11[%dma_start3A_170, %dma_start3A_171] : memref<10240x128xf32, #tpu.memory_space<vmem_shared>> -> memref<10240x128xf32, #tpu.memory_space<vmem_shared>>
      tpu.enqueue_indirect_dma source(%arg9 : memref<125x128xf32, #tpu.memory_space<vmem>>) target(%dma_start3A_172 : memref<10240x128xf32, #tpu.memory_space<vmem_shared>>) offsets(%dma_start3A_169 : memref<125xi32, #tpu.memory_space<vmem>>) semaphore(%arg14 : memref<!tpu.dma_semaphore, #tpu.memory_space<semaphore_mem>>) {add = true}
      %dma_wait3A_173 = arith.constant 0 : i32
      %dma_wait3A_174 = tpu.memref_slice %arg8[%add3A_160, %dma_wait3A_173] : memref<40x125xi32, #tpu.memory_space<vmem>> -> memref<1x125xi32, #tpu.memory_space<vmem>>
      %dma_wait3A_175 = tpu.memref_squeeze %dma_wait3A_174 : memref<1x125xi32, #tpu.memory_space<vmem>> -> memref<125xi32, #tpu.memory_space<vmem>>
      %dma_wait3A_176 = arith.constant 0 : i32
      %dma_wait3A_177 = arith.constant 0 : i32
      %dma_wait3A_178 = tpu.memref_slice %arg11[%dma_wait3A_176, %dma_wait3A_177] : memref<10240x128xf32, #tpu.memory_space<vmem_shared>> -> memref<10240x128xf32, #tpu.memory_space<vmem_shared>>
      tpu.wait_indirect_dma semaphore(%arg15 : memref<!tpu.dma_semaphore, #tpu.memory_space<semaphore_mem>>) src(%arg10 : memref<125x128xf32, #tpu.memory_space<vmem>>) dst(%dma_wait3A_178 : memref<10240x128xf32, #tpu.memory_space<vmem_shared>>)
      %add3A_179 = arith.constant 1 : i32
      %add3A_180 = arith.addi %add3A_160, %add3A_179 : i32
      %dma_start3A_181 = arith.constant 0 : i32
      %dma_start3A_182 = tpu.memref_slice %arg7[%add3A_180, %dma_start3A_181] : memref<40x125xi32, #tpu.memory_space<vmem>> -> memref<1x125xi32, #tpu.memory_space<vmem>>
      %dma_start3A_183 = tpu.memref_squeeze %dma_start3A_182 : memref<1x125xi32, #tpu.memory_space<vmem>> -> memref<125xi32, #tpu.memory_space<vmem>>
      %dma_start3A_184 = arith.constant 0 : i32
      %dma_start3A_185 = arith.constant 0 : i32
      %dma_start3A_186 = tpu.memref_slice %arg4[%dma_start3A_184, %dma_start3A_185] : memref<10000x128xf32, #tpu.memory_space<hbm>> -> memref<10000x128xf32, #tpu.memory_space<hbm>>
      tpu.enqueue_indirect_dma source(%dma_start3A_186 : memref<10000x128xf32, #tpu.memory_space<hbm>>) target(%arg10 : memref<125x128xf32, #tpu.memory_space<vmem>>) offsets(%dma_start3A_183 : memref<125xi32, #tpu.memory_space<vmem>>) semaphore(%arg13 : memref<!tpu.dma_semaphore, #tpu.memory_space<semaphore_mem>>)
    }
    %scan3A_31 = arith.constant 19 : i32
    %dma_wait3A_32 = arith.constant 39 : i32
    %dma_wait3A_33 = arith.constant 0 : i32
    %dma_wait3A_34 = tpu.memref_slice %arg7[%dma_wait3A_32, %dma_wait3A_33] : memref<40x125xi32, #tpu.memory_space<vmem>> -> memref<1x125xi32, #tpu.memory_space<vmem>>
    %dma_wait3A_35 = tpu.memref_squeeze %dma_wait3A_34 : memref<1x125xi32, #tpu.memory_space<vmem>> -> memref<125xi32, #tpu.memory_space<vmem>>
    %dma_wait3A_36 = arith.constant 0 : i32
    %dma_wait3A_37 = arith.constant 0 : i32
    %dma_wait3A_38 = tpu.memref_slice %arg4[%dma_wait3A_36, %dma_wait3A_37] : memref<10000x128xf32, #tpu.memory_space<hbm>> -> memref<10000x128xf32, #tpu.memory_space<hbm>>
    tpu.wait_indirect_dma semaphore(%arg13 : memref<!tpu.dma_semaphore, #tpu.memory_space<semaphore_mem>>) src(%dma_wait3A_38 : memref<10000x128xf32, #tpu.memory_space<hbm>>) dst(%arg10 : memref<125x128xf32, #tpu.memory_space<vmem>>)
    %dma_start3A_39 = arith.constant 39 : i32
    %dma_start3A_40 = arith.constant 0 : i32
    %dma_start3A_41 = tpu.memref_slice %arg8[%dma_start3A_39, %dma_start3A_40] : memref<40x125xi32, #tpu.memory_space<vmem>> -> memref<1x125xi32, #tpu.memory_space<vmem>>
    %dma_start3A_42 = tpu.memref_squeeze %dma_start3A_41 : memref<1x125xi32, #tpu.memory_space<vmem>> -> memref<125xi32, #tpu.memory_space<vmem>>
    %dma_start3A_43 = arith.constant 0 : i32
    %dma_start3A_44 = arith.constant 0 : i32
    %dma_start3A_45 = tpu.memref_slice %arg11[%dma_start3A_43, %dma_start3A_44] : memref<10240x128xf32, #tpu.memory_space<vmem_shared>> -> memref<10240x128xf32, #tpu.memory_space<vmem_shared>>
    tpu.enqueue_indirect_dma source(%arg10 : memref<125x128xf32, #tpu.memory_space<vmem>>) target(%dma_start3A_45 : memref<10240x128xf32, #tpu.memory_space<vmem_shared>>) offsets(%dma_start3A_42 : memref<125xi32, #tpu.memory_space<vmem>>) semaphore(%arg15 : memref<!tpu.dma_semaphore, #tpu.memory_space<semaphore_mem>>) {add = true}
    %dma_wait3A_46 = arith.constant 38 : i32
    %dma_wait3A_47 = arith.constant 0 : i32
    %dma_wait3A_48 = tpu.memref_slice %arg8[%dma_wait3A_46, %dma_wait3A_47] : memref<40x125xi32, #tpu.memory_space<vmem>> -> memref<1x125xi32, #tpu.memory_space<vmem>>
    %dma_wait3A_49 = tpu.memref_squeeze %dma_wait3A_48 : memref<1x125xi32, #tpu.memory_space<vmem>> -> memref<125xi32, #tpu.memory_space<vmem>>
    %dma_wait3A_50 = arith.constant 0 : i32
    %dma_wait3A_51 = arith.constant 0 : i32
    %dma_wait3A_52 = tpu.memref_slice %arg11[%dma_wait3A_50, %dma_wait3A_51] : memref<10240x128xf32, #tpu.memory_space<vmem_shared>> -> memref<10240x128xf32, #tpu.memory_space<vmem_shared>>
    tpu.wait_indirect_dma semaphore(%arg14 : memref<!tpu.dma_semaphore, #tpu.memory_space<semaphore_mem>>) src(%arg9 : memref<125x128xf32, #tpu.memory_space<vmem>>) dst(%dma_wait3A_52 : memref<10240x128xf32, #tpu.memory_space<vmem_shared>>)
    %dma_wait3A_53 = arith.constant 39 : i32
    %dma_wait3A_54 = arith.constant 0 : i32
    %dma_wait3A_55 = tpu.memref_slice %arg8[%dma_wait3A_53, %dma_wait3A_54] : memref<40x125xi32, #tpu.memory_space<vmem>> -> memref<1x125xi32, #tpu.memory_space<vmem>>
    %dma_wait3A_56 = tpu.memref_squeeze %dma_wait3A_55 : memref<1x125xi32, #tpu.memory_space<vmem>> -> memref<125xi32, #tpu.memory_space<vmem>>
    %dma_wait3A_57 = arith.constant 0 : i32
    %dma_wait3A_58 = arith.constant 0 : i32
    %dma_wait3A_59 = tpu.memref_slice %arg11[%dma_wait3A_57, %dma_wait3A_58] : memref<10240x128xf32, #tpu.memory_space<vmem_shared>> -> memref<10240x128xf32, #tpu.memory_space<vmem_shared>>
    tpu.wait_indirect_dma semaphore(%arg15 : memref<!tpu.dma_semaphore, #tpu.memory_space<semaphore_mem>>) src(%arg10 : memref<125x128xf32, #tpu.memory_space<vmem>>) dst(%dma_wait3A_59 : memref<10240x128xf32, #tpu.memory_space<vmem_shared>>)
    "tpu.region"() ({
      %run_scoped3A = tpu.sem_alloc : memref<!tpu.dma_semaphore, #tpu.memory_space<semaphore_mem>>
      %dma_start3A_127 = arith.constant 40 : i32
      %dma_start3A_128 = arith.constant 0 : i32
      %dma_start3A_129 = tpu.memref_slice %arg2[%arg0, %arg1, %dma_start3A_127, %dma_start3A_128] : memref<2x16x80x125xi32, #tpu.memory_space<hbm>> -> memref<1x1x40x125xi32, #tpu.memory_space<hbm>>
      %dma_start3A_130 = tpu.memref_squeeze %dma_start3A_129 : memref<1x1x40x125xi32, #tpu.memory_space<hbm>> -> memref<40x125xi32, #tpu.memory_space<hbm>>
      %dma_start3A_131 = arith.constant 40 : i32
      %dma_start3A_132 = arith.constant 0 : i32
      %dma_start3A_133 = tpu.memref_slice %arg2[%arg0, %arg1, %dma_start3A_131, %dma_start3A_132] : memref<2x16x80x125xi32, #tpu.memory_space<hbm>> -> memref<1x1x40x125xi32, #tpu.memory_space<hbm>>
      %dma_start3A_134 = tpu.memref_squeeze %dma_start3A_133 : memref<1x1x40x125xi32, #tpu.memory_space<hbm>> -> memref<40x125xi32, #tpu.memory_space<hbm>>
      tpu.enqueue_dma source(%dma_start3A_134 : memref<40x125xi32, #tpu.memory_space<hbm>>) target(%arg7 : memref<40x125xi32, #tpu.memory_space<vmem>>) target_semaphore(%run_scoped3A : memref<!tpu.dma_semaphore, #tpu.memory_space<semaphore_mem>>)
      %dma_wait3A_135 = arith.constant 40 : i32
      %dma_wait3A_136 = arith.constant 0 : i32
      %dma_wait3A_137 = tpu.memref_slice %arg2[%arg0, %arg1, %dma_wait3A_135, %dma_wait3A_136] : memref<2x16x80x125xi32, #tpu.memory_space<hbm>> -> memref<1x1x40x125xi32, #tpu.memory_space<hbm>>
      %dma_wait3A_138 = tpu.memref_squeeze %dma_wait3A_137 : memref<1x1x40x125xi32, #tpu.memory_space<hbm>> -> memref<40x125xi32, #tpu.memory_space<hbm>>
      %dma_wait3A_139 = arith.constant 40 : i32
      %dma_wait3A_140 = arith.constant 0 : i32
      %dma_wait3A_141 = tpu.memref_slice %arg2[%arg0, %arg1, %dma_wait3A_139, %dma_wait3A_140] : memref<2x16x80x125xi32, #tpu.memory_space<hbm>> -> memref<1x1x40x125xi32, #tpu.memory_space<hbm>>
      %dma_wait3A_142 = tpu.memref_squeeze %dma_wait3A_141 : memref<1x1x40x125xi32, #tpu.memory_space<hbm>> -> memref<40x125xi32, #tpu.memory_space<hbm>>
      tpu.wait_dma2 semaphore(%run_scoped3A : memref<!tpu.dma_semaphore, #tpu.memory_space<semaphore_mem>>) src(%dma_wait3A_142 : memref<40x125xi32, #tpu.memory_space<hbm>>) dst(%arg7 : memref<40x125xi32, #tpu.memory_space<vmem>>)
      tpu.yield
    }) : () -> ()
    "tpu.region"() ({
      %run_scoped3A = tpu.sem_alloc : memref<!tpu.dma_semaphore, #tpu.memory_space<semaphore_mem>>
      %dma_start3A_127 = arith.constant 40 : i32
      %dma_start3A_128 = arith.constant 0 : i32
      %dma_start3A_129 = tpu.memref_slice %arg3[%arg0, %arg1, %dma_start3A_127, %dma_start3A_128] : memref<2x16x80x125xi32, #tpu.memory_space<hbm>> -> memref<1x1x40x125xi32, #tpu.memory_space<hbm>>
      %dma_start3A_130 = tpu.memref_squeeze %dma_start3A_129 : memref<1x1x40x125xi32, #tpu.memory_space<hbm>> -> memref<40x125xi32, #tpu.memory_space<hbm>>
      %dma_start3A_131 = arith.constant 40 : i32
      %dma_start3A_132 = arith.constant 0 : i32
      %dma_start3A_133 = tpu.memref_slice %arg3[%arg0, %arg1, %dma_start3A_131, %dma_start3A_132] : memref<2x16x80x125xi32, #tpu.memory_space<hbm>> -> memref<1x1x40x125xi32, #tpu.memory_space<hbm>>
      %dma_start3A_134 = tpu.memref_squeeze %dma_start3A_133 : memref<1x1x40x125xi32, #tpu.memory_space<hbm>> -> memref<40x125xi32, #tpu.memory_space<hbm>>
      tpu.enqueue_dma source(%dma_start3A_134 : memref<40x125xi32, #tpu.memory_space<hbm>>) target(%arg8 : memref<40x125xi32, #tpu.memory_space<vmem>>) target_semaphore(%run_scoped3A : memref<!tpu.dma_semaphore, #tpu.memory_space<semaphore_mem>>)
      %dma_wait3A_135 = arith.constant 40 : i32
      %dma_wait3A_136 = arith.constant 0 : i32
      %dma_wait3A_137 = tpu.memref_slice %arg3[%arg0, %arg1, %dma_wait3A_135, %dma_wait3A_136] : memref<2x16x80x125xi32, #tpu.memory_space<hbm>> -> memref<1x1x40x125xi32, #tpu.memory_space<hbm>>
      %dma_wait3A_138 = tpu.memref_squeeze %dma_wait3A_137 : memref<1x1x40x125xi32, #tpu.memory_space<hbm>> -> memref<40x125xi32, #tpu.memory_space<hbm>>
      %dma_wait3A_139 = arith.constant 40 : i32
      %dma_wait3A_140 = arith.constant 0 : i32
      %dma_wait3A_141 = tpu.memref_slice %arg3[%arg0, %arg1, %dma_wait3A_139, %dma_wait3A_140] : memref<2x16x80x125xi32, #tpu.memory_space<hbm>> -> memref<1x1x40x125xi32, #tpu.memory_space<hbm>>
      %dma_wait3A_142 = tpu.memref_squeeze %dma_wait3A_141 : memref<1x1x40x125xi32, #tpu.memory_space<hbm>> -> memref<40x125xi32, #tpu.memory_space<hbm>>
      tpu.wait_dma2 semaphore(%run_scoped3A : memref<!tpu.dma_semaphore, #tpu.memory_space<semaphore_mem>>) src(%dma_wait3A_142 : memref<40x125xi32, #tpu.memory_space<hbm>>) dst(%arg8 : memref<40x125xi32, #tpu.memory_space<vmem>>)
      tpu.yield
    }) : () -> ()
    %dma_start3A_60 = arith.constant 0 : i32
    %dma_start3A_61 = arith.constant 0 : i32
    %dma_start3A_62 = tpu.memref_slice %arg7[%dma_start3A_60, %dma_start3A_61] : memref<40x125xi32, #tpu.memory_space<vmem>> -> memref<1x125xi32, #tpu.memory_space<vmem>>
    %dma_start3A_63 = tpu.memref_squeeze %dma_start3A_62 : memref<1x125xi32, #tpu.memory_space<vmem>> -> memref<125xi32, #tpu.memory_space<vmem>>
    %dma_start3A_64 = arith.constant 0 : i32
    %dma_start3A_65 = arith.constant 0 : i32
    %dma_start3A_66 = tpu.memref_slice %arg4[%dma_start3A_64, %dma_start3A_65] : memref<10000x128xf32, #tpu.memory_space<hbm>> -> memref<10000x128xf32, #tpu.memory_space<hbm>>
    tpu.enqueue_indirect_dma source(%dma_start3A_66 : memref<10000x128xf32, #tpu.memory_space<hbm>>) target(%arg9 : memref<125x128xf32, #tpu.memory_space<vmem>>) offsets(%dma_start3A_63 : memref<125xi32, #tpu.memory_space<vmem>>) semaphore(%arg12 : memref<!tpu.dma_semaphore, #tpu.memory_space<semaphore_mem>>)
    %dma_wait3A_67 = arith.constant 0 : i32
    %dma_wait3A_68 = arith.constant 0 : i32
    %dma_wait3A_69 = tpu.memref_slice %arg7[%dma_wait3A_67, %dma_wait3A_68] : memref<40x125xi32, #tpu.memory_space<vmem>> -> memref<1x125xi32, #tpu.memory_space<vmem>>
    %dma_wait3A_70 = tpu.memref_squeeze %dma_wait3A_69 : memref<1x125xi32, #tpu.memory_space<vmem>> -> memref<125xi32, #tpu.memory_space<vmem>>
    %dma_wait3A_71 = arith.constant 0 : i32
    %dma_wait3A_72 = arith.constant 0 : i32
    %dma_wait3A_73 = tpu.memref_slice %arg4[%dma_wait3A_71, %dma_wait3A_72] : memref<10000x128xf32, #tpu.memory_space<hbm>> -> memref<10000x128xf32, #tpu.memory_space<hbm>>
    tpu.wait_indirect_dma semaphore(%arg12 : memref<!tpu.dma_semaphore, #tpu.memory_space<semaphore_mem>>) src(%dma_wait3A_73 : memref<10000x128xf32, #tpu.memory_space<hbm>>) dst(%arg9 : memref<125x128xf32, #tpu.memory_space<vmem>>)
    %dma_start3A_74 = arith.constant 0 : i32
    %dma_start3A_75 = arith.constant 0 : i32
    %dma_start3A_76 = tpu.memref_slice %arg8[%dma_start3A_74, %dma_start3A_75] : memref<40x125xi32, #tpu.memory_space<vmem>> -> memref<1x125xi32, #tpu.memory_space<vmem>>
    %dma_start3A_77 = tpu.memref_squeeze %dma_start3A_76 : memref<1x125xi32, #tpu.memory_space<vmem>> -> memref<125xi32, #tpu.memory_space<vmem>>
    %dma_start3A_78 = arith.constant 0 : i32
    %dma_start3A_79 = arith.constant 0 : i32
    %dma_start3A_80 = tpu.memref_slice %arg11[%dma_start3A_78, %dma_start3A_79] : memref<10240x128xf32, #tpu.memory_space<vmem_shared>> -> memref<10240x128xf32, #tpu.memory_space<vmem_shared>>
    tpu.enqueue_indirect_dma source(%arg9 : memref<125x128xf32, #tpu.memory_space<vmem>>) target(%dma_start3A_80 : memref<10240x128xf32, #tpu.memory_space<vmem_shared>>) offsets(%dma_start3A_77 : memref<125xi32, #tpu.memory_space<vmem>>) semaphore(%arg14 : memref<!tpu.dma_semaphore, #tpu.memory_space<semaphore_mem>>) {add = true}
    %dma_start3A_81 = arith.constant 1 : i32
    %dma_start3A_82 = arith.constant 0 : i32
    %dma_start3A_83 = tpu.memref_slice %arg7[%dma_start3A_81, %dma_start3A_82] : memref<40x125xi32, #tpu.memory_space<vmem>> -> memref<1x125xi32, #tpu.memory_space<vmem>>
    %dma_start3A_84 = tpu.memref_squeeze %dma_start3A_83 : memref<1x125xi32, #tpu.memory_space<vmem>> -> memref<125xi32, #tpu.memory_space<vmem>>
    %dma_start3A_85 = arith.constant 0 : i32
    %dma_start3A_86 = arith.constant 0 : i32
    %dma_start3A_87 = tpu.memref_slice %arg4[%dma_start3A_85, %dma_start3A_86] : memref<10000x128xf32, #tpu.memory_space<hbm>> -> memref<10000x128xf32, #tpu.memory_space<hbm>>
    tpu.enqueue_indirect_dma source(%dma_start3A_87 : memref<10000x128xf32, #tpu.memory_space<hbm>>) target(%arg10 : memref<125x128xf32, #tpu.memory_space<vmem>>) offsets(%dma_start3A_84 : memref<125xi32, #tpu.memory_space<vmem>>) semaphore(%arg13 : memref<!tpu.dma_semaphore, #tpu.memory_space<semaphore_mem>>)
    %scan3A_88 = arith.constant 0 : i32
    %scan3A_89 = arith.constant 0 : i32
    %scan3A_90 = arith.constant 19 : i32
    %scan3A_91 = arith.addi %scan3A_89, %scan3A_90 : i32
    %scan3A_92 = arith.constant 1 : i32
    scf.for %scan3A_127 = %scan3A_89 to %scan3A_91 step %scan3A_92  : i32 {
      %mul3A_128 = arith.constant 2 : i32
      %mul3A_129 = arith.muli %mul3A_128, %scan3A_127 : i32
      %add3A = arith.constant 1 : i32
      %add3A_130 = arith.addi %mul3A_129, %add3A : i32
      %add3A_131 = arith.constant 0 : i32
      %add3A_132 = arith.addi %add3A_130, %add3A_131 : i32
      %dma_wait3A_133 = arith.constant 0 : i32
      %dma_wait3A_134 = tpu.memref_slice %arg7[%add3A_132, %dma_wait3A_133] : memref<40x125xi32, #tpu.memory_space<vmem>> -> memref<1x125xi32, #tpu.memory_space<vmem>>
      %dma_wait3A_135 = tpu.memref_squeeze %dma_wait3A_134 : memref<1x125xi32, #tpu.memory_space<vmem>> -> memref<125xi32, #tpu.memory_space<vmem>>
      %dma_wait3A_136 = arith.constant 0 : i32
      %dma_wait3A_137 = arith.constant 0 : i32
      %dma_wait3A_138 = tpu.memref_slice %arg4[%dma_wait3A_136, %dma_wait3A_137] : memref<10000x128xf32, #tpu.memory_space<hbm>> -> memref<10000x128xf32, #tpu.memory_space<hbm>>
      tpu.wait_indirect_dma semaphore(%arg13 : memref<!tpu.dma_semaphore, #tpu.memory_space<semaphore_mem>>) src(%dma_wait3A_138 : memref<10000x128xf32, #tpu.memory_space<hbm>>) dst(%arg10 : memref<125x128xf32, #tpu.memory_space<vmem>>)
      %dma_start3A_139 = arith.constant 0 : i32
      %dma_start3A_140 = tpu.memref_slice %arg8[%add3A_132, %dma_start3A_139] : memref<40x125xi32, #tpu.memory_space<vmem>> -> memref<1x125xi32, #tpu.memory_space<vmem>>
      %dma_start3A_141 = tpu.memref_squeeze %dma_start3A_140 : memref<1x125xi32, #tpu.memory_space<vmem>> -> memref<125xi32, #tpu.memory_space<vmem>>
      %dma_start3A_142 = arith.constant 0 : i32
      %dma_start3A_143 = arith.constant 0 : i32
      %dma_start3A_144 = tpu.memref_slice %arg11[%dma_start3A_142, %dma_start3A_143] : memref<10240x128xf32, #tpu.memory_space<vmem_shared>> -> memref<10240x128xf32, #tpu.memory_space<vmem_shared>>
      tpu.enqueue_indirect_dma source(%arg10 : memref<125x128xf32, #tpu.memory_space<vmem>>) target(%dma_start3A_144 : memref<10240x128xf32, #tpu.memory_space<vmem_shared>>) offsets(%dma_start3A_141 : memref<125xi32, #tpu.memory_space<vmem>>) semaphore(%arg15 : memref<!tpu.dma_semaphore, #tpu.memory_space<semaphore_mem>>) {add = true}
      %dma_wait3A_145 = arith.constant 0 : i32
      %dma_wait3A_146 = tpu.memref_slice %arg8[%add3A_132, %dma_wait3A_145] : memref<40x125xi32, #tpu.memory_space<vmem>> -> memref<1x125xi32, #tpu.memory_space<vmem>>
      %dma_wait3A_147 = tpu.memref_squeeze %dma_wait3A_146 : memref<1x125xi32, #tpu.memory_space<vmem>> -> memref<125xi32, #tpu.memory_space<vmem>>
      %dma_wait3A_148 = arith.constant 0 : i32
      %dma_wait3A_149 = arith.constant 0 : i32
      %dma_wait3A_150 = tpu.memref_slice %arg11[%dma_wait3A_148, %dma_wait3A_149] : memref<10240x128xf32, #tpu.memory_space<vmem_shared>> -> memref<10240x128xf32, #tpu.memory_space<vmem_shared>>
      tpu.wait_indirect_dma semaphore(%arg14 : memref<!tpu.dma_semaphore, #tpu.memory_space<semaphore_mem>>) src(%arg9 : memref<125x128xf32, #tpu.memory_space<vmem>>) dst(%dma_wait3A_150 : memref<10240x128xf32, #tpu.memory_space<vmem_shared>>)
      %add3A_151 = arith.constant 1 : i32
      %add3A_152 = arith.addi %add3A_132, %add3A_151 : i32
      %dma_start3A_153 = arith.constant 0 : i32
      %dma_start3A_154 = tpu.memref_slice %arg7[%add3A_152, %dma_start3A_153] : memref<40x125xi32, #tpu.memory_space<vmem>> -> memref<1x125xi32, #tpu.memory_space<vmem>>
      %dma_start3A_155 = tpu.memref_squeeze %dma_start3A_154 : memref<1x125xi32, #tpu.memory_space<vmem>> -> memref<125xi32, #tpu.memory_space<vmem>>
      %dma_start3A_156 = arith.constant 0 : i32
      %dma_start3A_157 = arith.constant 0 : i32
      %dma_start3A_158 = tpu.memref_slice %arg4[%dma_start3A_156, %dma_start3A_157] : memref<10000x128xf32, #tpu.memory_space<hbm>> -> memref<10000x128xf32, #tpu.memory_space<hbm>>
      tpu.enqueue_indirect_dma source(%dma_start3A_158 : memref<10000x128xf32, #tpu.memory_space<hbm>>) target(%arg9 : memref<125x128xf32, #tpu.memory_space<vmem>>) offsets(%dma_start3A_155 : memref<125xi32, #tpu.memory_space<vmem>>) semaphore(%arg12 : memref<!tpu.dma_semaphore, #tpu.memory_space<semaphore_mem>>)
      %add3A_159 = arith.constant 1 : i32
      %add3A_160 = arith.addi %add3A_130, %add3A_159 : i32
      %dma_wait3A_161 = arith.constant 0 : i32
      %dma_wait3A_162 = tpu.memref_slice %arg7[%add3A_160, %dma_wait3A_161] : memref<40x125xi32, #tpu.memory_space<vmem>> -> memref<1x125xi32, #tpu.memory_space<vmem>>
      %dma_wait3A_163 = tpu.memref_squeeze %dma_wait3A_162 : memref<1x125xi32, #tpu.memory_space<vmem>> -> memref<125xi32, #tpu.memory_space<vmem>>
      %dma_wait3A_164 = arith.constant 0 : i32
      %dma_wait3A_165 = arith.constant 0 : i32
      %dma_wait3A_166 = tpu.memref_slice %arg4[%dma_wait3A_164, %dma_wait3A_165] : memref<10000x128xf32, #tpu.memory_space<hbm>> -> memref<10000x128xf32, #tpu.memory_space<hbm>>
      tpu.wait_indirect_dma semaphore(%arg12 : memref<!tpu.dma_semaphore, #tpu.memory_space<semaphore_mem>>) src(%dma_wait3A_166 : memref<10000x128xf32, #tpu.memory_space<hbm>>) dst(%arg9 : memref<125x128xf32, #tpu.memory_space<vmem>>)
      %dma_start3A_167 = arith.constant 0 : i32
      %dma_start3A_168 = tpu.memref_slice %arg8[%add3A_160, %dma_start3A_167] : memref<40x125xi32, #tpu.memory_space<vmem>> -> memref<1x125xi32, #tpu.memory_space<vmem>>
      %dma_start3A_169 = tpu.memref_squeeze %dma_start3A_168 : memref<1x125xi32, #tpu.memory_space<vmem>> -> memref<125xi32, #tpu.memory_space<vmem>>
      %dma_start3A_170 = arith.constant 0 : i32
      %dma_start3A_171 = arith.constant 0 : i32
      %dma_start3A_172 = tpu.memref_slice %arg11[%dma_start3A_170, %dma_start3A_171] : memref<10240x128xf32, #tpu.memory_space<vmem_shared>> -> memref<10240x128xf32, #tpu.memory_space<vmem_shared>>
      tpu.enqueue_indirect_dma source(%arg9 : memref<125x128xf32, #tpu.memory_space<vmem>>) target(%dma_start3A_172 : memref<10240x128xf32, #tpu.memory_space<vmem_shared>>) offsets(%dma_start3A_169 : memref<125xi32, #tpu.memory_space<vmem>>) semaphore(%arg14 : memref<!tpu.dma_semaphore, #tpu.memory_space<semaphore_mem>>) {add = true}
      %dma_wait3A_173 = arith.constant 0 : i32
      %dma_wait3A_174 = tpu.memref_slice %arg8[%add3A_160, %dma_wait3A_173] : memref<40x125xi32, #tpu.memory_space<vmem>> -> memref<1x125xi32, #tpu.memory_space<vmem>>
      %dma_wait3A_175 = tpu.memref_squeeze %dma_wait3A_174 : memref<1x125xi32, #tpu.memory_space<vmem>> -> memref<125xi32, #tpu.memory_space<vmem>>
      %dma_wait3A_176 = arith.constant 0 : i32
      %dma_wait3A_177 = arith.constant 0 : i32
      %dma_wait3A_178 = tpu.memref_slice %arg11[%dma_wait3A_176, %dma_wait3A_177] : memref<10240x128xf32, #tpu.memory_space<vmem_shared>> -> memref<10240x128xf32, #tpu.memory_space<vmem_shared>>
      tpu.wait_indirect_dma semaphore(%arg15 : memref<!tpu.dma_semaphore, #tpu.memory_space<semaphore_mem>>) src(%arg10 : memref<125x128xf32, #tpu.memory_space<vmem>>) dst(%dma_wait3A_178 : memref<10240x128xf32, #tpu.memory_space<vmem_shared>>)
      %add3A_179 = arith.constant 1 : i32
      %add3A_180 = arith.addi %add3A_160, %add3A_179 : i32
      %dma_start3A_181 = arith.constant 0 : i32
      %dma_start3A_182 = tpu.memref_slice %arg7[%add3A_180, %dma_start3A_181] : memref<40x125xi32, #tpu.memory_space<vmem>> -> memref<1x125xi32, #tpu.memory_space<vmem>>
      %dma_start3A_183 = tpu.memref_squeeze %dma_start3A_182 : memref<1x125xi32, #tpu.memory_space<vmem>> -> memref<125xi32, #tpu.memory_space<vmem>>
      %dma_start3A_184 = arith.constant 0 : i32
      %dma_start3A_185 = arith.constant 0 : i32
      %dma_start3A_186 = tpu.memref_slice %arg4[%dma_start3A_184, %dma_start3A_185] : memref<10000x128xf32, #tpu.memory_space<hbm>> -> memref<10000x128xf32, #tpu.memory_space<hbm>>
      tpu.enqueue_indirect_dma source(%dma_start3A_186 : memref<10000x128xf32, #tpu.memory_space<hbm>>) target(%arg10 : memref<125x128xf32, #tpu.memory_space<vmem>>) offsets(%dma_start3A_183 : memref<125xi32, #tpu.memory_space<vmem>>) semaphore(%arg13 : memref<!tpu.dma_semaphore, #tpu.memory_space<semaphore_mem>>)
    }
    %scan3A_93 = arith.constant 19 : i32
    %dma_wait3A_94 = arith.constant 39 : i32
    %dma_wait3A_95 = arith.constant 0 : i32
    %dma_wait3A_96 = tpu.memref_slice %arg7[%dma_wait3A_94, %dma_wait3A_95] : memref<40x125xi32, #tpu.memory_space<vmem>> -> memref<1x125xi32, #tpu.memory_space<vmem>>
    %dma_wait3A_97 = tpu.memref_squeeze %dma_wait3A_96 : memref<1x125xi32, #tpu.memory_space<vmem>> -> memref<125xi32, #tpu.memory_space<vmem>>
    %dma_wait3A_98 = arith.constant 0 : i32
    %dma_wait3A_99 = arith.constant 0 : i32
    %dma_wait3A_100 = tpu.memref_slice %arg4[%dma_wait3A_98, %dma_wait3A_99] : memref<10000x128xf32, #tpu.memory_space<hbm>> -> memref<10000x128xf32, #tpu.memory_space<hbm>>
    tpu.wait_indirect_dma semaphore(%arg13 : memref<!tpu.dma_semaphore, #tpu.memory_space<semaphore_mem>>) src(%dma_wait3A_100 : memref<10000x128xf32, #tpu.memory_space<hbm>>) dst(%arg10 : memref<125x128xf32, #tpu.memory_space<vmem>>)
    %dma_start3A_101 = arith.constant 39 : i32
    %dma_start3A_102 = arith.constant 0 : i32
    %dma_start3A_103 = tpu.memref_slice %arg8[%dma_start3A_101, %dma_start3A_102] : memref<40x125xi32, #tpu.memory_space<vmem>> -> memref<1x125xi32, #tpu.memory_space<vmem>>
    %dma_start3A_104 = tpu.memref_squeeze %dma_start3A_103 : memref<1x125xi32, #tpu.memory_space<vmem>> -> memref<125xi32, #tpu.memory_space<vmem>>
    %dma_start3A_105 = arith.constant 0 : i32
    %dma_start3A_106 = arith.constant 0 : i32
    %dma_start3A_107 = tpu.memref_slice %arg11[%dma_start3A_105, %dma_start3A_106] : memref<10240x128xf32, #tpu.memory_space<vmem_shared>> -> memref<10240x128xf32, #tpu.memory_space<vmem_shared>>
    tpu.enqueue_indirect_dma source(%arg10 : memref<125x128xf32, #tpu.memory_space<vmem>>) target(%dma_start3A_107 : memref<10240x128xf32, #tpu.memory_space<vmem_shared>>) offsets(%dma_start3A_104 : memref<125xi32, #tpu.memory_space<vmem>>) semaphore(%arg15 : memref<!tpu.dma_semaphore, #tpu.memory_space<semaphore_mem>>) {add = true}
    %dma_wait3A_108 = arith.constant 38 : i32
    %dma_wait3A_109 = arith.constant 0 : i32
    %dma_wait3A_110 = tpu.memref_slice %arg8[%dma_wait3A_108, %dma_wait3A_109] : memref<40x125xi32, #tpu.memory_space<vmem>> -> memref<1x125xi32, #tpu.memory_space<vmem>>
    %dma_wait3A_111 = tpu.memref_squeeze %dma_wait3A_110 : memref<1x125xi32, #tpu.memory_space<vmem>> -> memref<125xi32, #tpu.memory_space<vmem>>
    %dma_wait3A_112 = arith.constant 0 : i32
    %dma_wait3A_113 = arith.constant 0 : i32
    %dma_wait3A_114 = tpu.memref_slice %arg11[%dma_wait3A_112, %dma_wait3A_113] : memref<10240x128xf32, #tpu.memory_space<vmem_shared>> -> memref<10240x128xf32, #tpu.memory_space<vmem_shared>>
    tpu.wait_indirect_dma semaphore(%arg14 : memref<!tpu.dma_semaphore, #tpu.memory_space<semaphore_mem>>) src(%arg9 : memref<125x128xf32, #tpu.memory_space<vmem>>) dst(%dma_wait3A_114 : memref<10240x128xf32, #tpu.memory_space<vmem_shared>>)
    %dma_wait3A_115 = arith.constant 39 : i32
    %dma_wait3A_116 = arith.constant 0 : i32
    %dma_wait3A_117 = tpu.memref_slice %arg8[%dma_wait3A_115, %dma_wait3A_116] : memref<40x125xi32, #tpu.memory_space<vmem>> -> memref<1x125xi32, #tpu.memory_space<vmem>>
    %dma_wait3A_118 = tpu.memref_squeeze %dma_wait3A_117 : memref<1x125xi32, #tpu.memory_space<vmem>> -> memref<125xi32, #tpu.memory_space<vmem>>
    %dma_wait3A_119 = arith.constant 0 : i32
    %dma_wait3A_120 = arith.constant 0 : i32
    %dma_wait3A_121 = tpu.memref_slice %arg11[%dma_wait3A_119, %dma_wait3A_120] : memref<10240x128xf32, #tpu.memory_space<vmem_shared>> -> memref<10240x128xf32, #tpu.memory_space<vmem_shared>>
    tpu.wait_indirect_dma semaphore(%arg15 : memref<!tpu.dma_semaphore, #tpu.memory_space<semaphore_mem>>) src(%arg10 : memref<125x128xf32, #tpu.memory_space<vmem>>) dst(%dma_wait3A_121 : memref<10240x128xf32, #tpu.memory_space<vmem_shared>>)
    %barrier3A_122 = arith.constant 0 : index
    tpu.barrier barrier_id(%barrier3A_122)
    %mul3A_123 = arith.constant 640 : i32
    %mul3A_124 = arith.muli %arg1, %mul3A_123 : i32
    %mul3A_125 = arith.constant 640 : i32
    %mul3A_126 = arith.muli %arg1, %mul3A_125 : i32
    "tpu.region"() ({
      %run_scoped3A = tpu.sem_alloc : memref<!tpu.dma_semaphore, #tpu.memory_space<semaphore_mem>>
      %dma_start3A_127 = arith.constant 0 : i32
      %dma_start3A_128 = tpu.memref_slice %arg6[%arg0, %mul3A_126, %dma_start3A_127] : memref<2x10240x128xf32, #tpu.memory_space<hbm>> -> memref<1x640x128xf32, #tpu.memory_space<hbm>>
      %dma_start3A_129 = tpu.memref_squeeze %dma_start3A_128 : memref<1x640x128xf32, #tpu.memory_space<hbm>> -> memref<640x128xf32, #tpu.memory_space<hbm>>
      %dma_start3A_130 = arith.constant 0 : i32
      %dma_start3A_131 = tpu.memref_slice %arg11[%mul3A_124, %dma_start3A_130] : memref<10240x128xf32, #tpu.memory_space<vmem_shared>> -> memref<640x128xf32, #tpu.memory_space<vmem_shared>>
      tpu.enqueue_dma source(%dma_start3A_131 : memref<640x128xf32, #tpu.memory_space<vmem_shared>>) target(%dma_start3A_129 : memref<640x128xf32, #tpu.memory_space<hbm>>) target_semaphore(%run_scoped3A : memref<!tpu.dma_semaphore, #tpu.memory_space<semaphore_mem>>)
      %dma_wait3A_132 = arith.constant 0 : i32
      %dma_wait3A_133 = tpu.memref_slice %arg6[%arg0, %mul3A_126, %dma_wait3A_132] : memref<2x10240x128xf32, #tpu.memory_space<hbm>> -> memref<1x640x128xf32, #tpu.memory_space<hbm>>
      %dma_wait3A_134 = tpu.memref_squeeze %dma_wait3A_133 : memref<1x640x128xf32, #tpu.memory_space<hbm>> -> memref<640x128xf32, #tpu.memory_space<hbm>>
      %dma_wait3A_135 = arith.constant 0 : i32
      %dma_wait3A_136 = tpu.memref_slice %arg11[%mul3A_124, %dma_wait3A_135] : memref<10240x128xf32, #tpu.memory_space<vmem_shared>> -> memref<640x128xf32, #tpu.memory_space<vmem_shared>>
      tpu.wait_dma2 semaphore(%run_scoped3A : memref<!tpu.dma_semaphore, #tpu.memory_space<semaphore_mem>>) src(%dma_wait3A_136 : memref<640x128xf32, #tpu.memory_space<vmem_shared>>) dst(%dma_wait3A_134 : memref<640x128xf32, #tpu.memory_space<hbm>>)
      tpu.yield
    }) : () -> ()
    return
  }
}

module attributes {stable_mosaic.version = 14 : i64} {
  func.func @_tc_scale_body(%arg0: i32, %arg1: memref<1x1000x1xf32, #tpu.memory_space<vmem>>, %arg2: memref<1x1000x1xf32, #tpu.memory_space<vmem>>, %arg3: memref<1000x128xf32, #tpu.memory_space<vmem>>, %arg4: memref<1000x128xf32, #tpu.memory_space<vmem>>) attributes {dimension_semantics = [#tpu.dimension_semantics<arbitrary>], iteration_bounds = array<i64: 10>, scalar_prefetch = 0 : i64, scratch_operands = 0 : i64, tpu.core_type = #tpu.core_type<tc>, window_params = [{transform_indices = @transform_0, window_bounds = array<i64: 1, 1000, 1>}, {transform_indices = @transform_1, window_bounds = array<i64: 1, 1000, 1>}, {transform_indices = @transform_2, window_bounds = array<i64: 1000, 128>}, {transform_indices = @transform_3, window_bounds = array<i64: 1000, 128>}]} {
    %get3A = arith.constant 0 : index
    %get3A_0 = arith.constant 0 : index
    %get3A_1 = arith.constant 0 : index
    %get3A_2 = vector.load %arg1[%get3A, %get3A_0, %get3A_1] : memref<1x1000x1xf32, #tpu.memory_space<vmem>>, vector<1x1000x1xf32>
    %get3A_3 = arith.constant 0 : index
    %get3A_4 = arith.constant 0 : index
    %get3A_5 = arith.constant 0 : index
    %get3A_6 = vector.load %arg2[%get3A_3, %get3A_4, %get3A_5] : memref<1x1000x1xf32, #tpu.memory_space<vmem>>, vector<1x1000x1xf32>
    %add3A = arith.addf %get3A_2, %get3A_6 : vector<1x1000x1xf32>
    %add3A_7 = arith.constant 1.000000e+00 : f32
    %add3A_8 = vector.broadcast %add3A_7 : f32 to vector<1x1000x1xf32>
    %add3A_9 = arith.addf %add3A, %add3A_8 : vector<1x1000x1xf32>
    %rsqrt3A = math.rsqrt %add3A_9 : vector<1x1000x1xf32>
    %get3A_10 = arith.constant 0 : index
    %get3A_11 = arith.constant 0 : index
    %get3A_12 = vector.load %arg3[%get3A_10, %get3A_11] : memref<1000x128xf32, #tpu.memory_space<vmem>>, vector<1000x128xf32>
    %reshape3A = vector.shape_cast %rsqrt3A : vector<1x1000x1xf32> to vector<1000x1xf32>
    %mul3A = vector.broadcast %reshape3A : vector<1000x1xf32> to vector<1000x128xf32>
    %mul3A_13 = arith.mulf %get3A_12, %mul3A : vector<1000x128xf32>
    %swap3A = arith.constant 0 : index
    %swap3A_14 = arith.constant 0 : index
    %swap3A_15 = vector.load %arg4[%swap3A, %swap3A_14] : memref<1000x128xf32, #tpu.memory_space<vmem>>, vector<1000x128xf32>
    tpu.vector_store %arg4[%swap3A, %swap3A_14], %mul3A_13 {strides = array<i32>} : memref<1000x128xf32, #tpu.memory_space<vmem>>, vector<1000x128xf32>,
    return
  }
  func.func @transform_0(%arg0: i32) -> (i32, i32, i32) {
    %c0_i32 = arith.constant 0 : i32
    %c0_i32_0 = arith.constant 0 : i32
    %c0_i32_1 = arith.constant 0 : i32
    return %c0_i32, %arg0, %c0_i32_0 : i32, i32, i32
  }
  func.func @transform_1(%arg0: i32) -> (i32, i32, i32) {
    %c1_i32 = arith.constant 1 : i32
    %c0_i32 = arith.constant 0 : i32
    %c0_i32_0 = arith.constant 0 : i32
    return %c1_i32, %arg0, %c0_i32 : i32, i32, i32
  }
  func.func @transform_2(%arg0: i32) -> (i32, i32) {
    %c0_i32 = arith.constant 0 : i32
    %c0_i32_0 = arith.constant 0 : i32
    return %arg0, %c0_i32 : i32, i32
  }
  func.func @transform_3(%arg0: i32) -> (i32, i32) {
    %c0_i32 = arith.constant 0 : i32
    %c0_i32_0 = arith.constant 0 : i32
    return %arg0, %c0_i32 : i32, i32
  }
}

module attributes {stable_mosaic.version = 14 : i64} {
  func.func @_tc_final_body(%arg0: i32, %arg1: memref<1x1000x1xf32, #tpu.memory_space<vmem>>, %arg2: memref<1x1000x1xf32, #tpu.memory_space<vmem>>, %arg3: memref<1000x128xf32, #tpu.memory_space<vmem>>, %arg4: memref<1x1000x128xf32, #tpu.memory_space<vmem>>, %arg5: memref<1x1000x128xf32, #tpu.memory_space<vmem>>, %arg6: memref<128x128xf32, #tpu.memory_space<vmem>>, %arg7: memref<1x128xf32, #tpu.memory_space<vmem>>, %arg8: memref<1000x128xf32, #tpu.memory_space<vmem>>) attributes {dimension_semantics = [#tpu.dimension_semantics<arbitrary>], iteration_bounds = array<i64: 10>, scalar_prefetch = 0 : i64, scratch_operands = 0 : i64, tpu.core_type = #tpu.core_type<tc>, window_params = [{transform_indices = @transform_0, window_bounds = array<i64: 1, 1000, 1>}, {transform_indices = @transform_1, window_bounds = array<i64: 1, 1000, 1>}, {transform_indices = @transform_2, window_bounds = array<i64: 1000, 128>}, {transform_indices = @transform_3, window_bounds = array<i64: 1, 1000, 128>}, {transform_indices = @transform_4, window_bounds = array<i64: 1, 1000, 128>}, {pipeline_mode = #tpu.pipeline_mode<synchronous>, transform_indices = @transform_5, window_bounds = array<i64: 128, 128>}, {pipeline_mode = #tpu.pipeline_mode<synchronous>, transform_indices = @transform_6, window_bounds = array<i64: 1, 128>}, {transform_indices = @transform_7, window_bounds = array<i64: 1000, 128>}]} {
    %get3A = arith.constant 0 : index
    %get3A_0 = arith.constant 0 : index
    %get3A_1 = arith.constant 0 : index
    %get3A_2 = vector.load %arg1[%get3A, %get3A_0, %get3A_1] : memref<1x1000x1xf32, #tpu.memory_space<vmem>>, vector<1x1000x1xf32>
    %get3A_3 = arith.constant 0 : index
    %get3A_4 = arith.constant 0 : index
    %get3A_5 = arith.constant 0 : index
    %get3A_6 = vector.load %arg2[%get3A_3, %get3A_4, %get3A_5] : memref<1x1000x1xf32, #tpu.memory_space<vmem>>, vector<1x1000x1xf32>
    %add3A = arith.addf %get3A_2, %get3A_6 : vector<1x1000x1xf32>
    %add3A_7 = arith.constant 1.000000e+00 : f32
    %add3A_8 = vector.broadcast %add3A_7 : f32 to vector<1x1000x1xf32>
    %add3A_9 = arith.addf %add3A, %add3A_8 : vector<1x1000x1xf32>
    %rsqrt3A = math.rsqrt %add3A_9 : vector<1x1000x1xf32>
    %reshape3A = vector.shape_cast %rsqrt3A : vector<1x1000x1xf32> to vector<1000x1xf32>
    %get3A_10 = arith.constant 0 : index
    %get3A_11 = arith.constant 0 : index
    %get3A_12 = arith.constant 0 : index
    %get3A_13 = vector.load %arg4[%get3A_10, %get3A_11, %get3A_12] : memref<1x1000x128xf32, #tpu.memory_space<vmem>>, vector<1x1000x128xf32>
    %reshape3A_14 = vector.shape_cast %get3A_13 : vector<1x1000x128xf32> to vector<1000x128xf32>
    %get3A_15 = arith.constant 0 : index
    %get3A_16 = arith.constant 0 : index
    %get3A_17 = arith.constant 0 : index
    %get3A_18 = vector.load %arg5[%get3A_15, %get3A_16, %get3A_17] : memref<1x1000x128xf32, #tpu.memory_space<vmem>>, vector<1x1000x128xf32>
    %reshape3A_19 = vector.shape_cast %get3A_18 : vector<1x1000x128xf32> to vector<1000x128xf32>
    %add3A_20 = arith.addf %reshape3A_14, %reshape3A_19 : vector<1000x128xf32>
    %get3A_21 = arith.constant 0 : index
    %get3A_22 = arith.constant 0 : index
    %get3A_23 = vector.load %arg3[%get3A_21, %get3A_22] : memref<1000x128xf32, #tpu.memory_space<vmem>>, vector<1000x128xf32>
    %add3A_24 = arith.addf %add3A_20, %get3A_23 : vector<1000x128xf32>
    %mul3A = vector.broadcast %reshape3A : vector<1000x1xf32> to vector<1000x128xf32>
    %mul3A_25 = arith.mulf %add3A_24, %mul3A : vector<1000x128xf32>
    %get3A_26 = arith.constant 0 : index
    %get3A_27 = arith.constant 0 : index
    %get3A_28 = vector.load %arg6[%get3A_26, %get3A_27] : memref<128x128xf32, #tpu.memory_space<vmem>>, vector<128x128xf32>
    %dot_general3A = arith.constant dense<0.000000e+00> : vector<1000x128xf32>
    %dot_general3A_29 = tpu.matmul %mul3A_25, %get3A_28, %dot_general3A {dimension_numbers = #tpu.dot_dimension_numbers<[1], [0], [0], [1], [0, 0, 1, 1], [], []>, transpose_lhs_hint = false} : vector<1000x128xf32>, vector<128x128xf32>, vector<1000x128xf32> -> vector<1000x128xf32>
    %get3A_30 = arith.constant 0 : index
    %get3A_31 = arith.constant 0 : index
    %get3A_32 = vector.load %arg7[%get3A_30, %get3A_31] : memref<1x128xf32, #tpu.memory_space<vmem>>, vector<1x128xf32>
    %add3A_33 = vector.broadcast %get3A_32 : vector<1x128xf32> to vector<1000x128xf32>
    %add3A_34 = arith.addf %dot_general3A_29, %add3A_33 : vector<1000x128xf32>
    %min3A = arith.constant 0.000000e+00 : f32
    %min3A_35 = vector.broadcast %min3A : f32 to vector<1000x128xf32>
    %min3A_36 = arith.minimumf %add3A_34, %min3A_35 : vector<1000x128xf32>
    %gt3A = arith.constant 0.000000e+00 : f32
    %gt3A_37 = vector.broadcast %gt3A : f32 to vector<1000x128xf32>
    %gt3A_38 = arith.cmpf ogt, %add3A_34, %gt3A_37 : vector<1000x128xf32>
    %exp3A = math.exp %min3A_36 : vector<1000x128xf32>
    %sub3A = arith.constant 1.000000e+00 : f32
    %sub3A_39 = vector.broadcast %sub3A : f32 to vector<1000x128xf32>
    %sub3A_40 = arith.subf %exp3A, %sub3A_39 : vector<1000x128xf32>
    %select_n3A = arith.select %gt3A_38, %add3A_34, %sub3A_40 : vector<1000x128xi1>, vector<1000x128xf32>
    %swap3A = arith.constant 0 : index
    %swap3A_41 = arith.constant 0 : index
    %swap3A_42 = vector.load %arg8[%swap3A, %swap3A_41] : memref<1000x128xf32, #tpu.memory_space<vmem>>, vector<1000x128xf32>
    tpu.vector_store %arg8[%swap3A, %swap3A_41], %select_n3A {strides = array<i32>} : memref<1000x128xf32, #tpu.memory_space<vmem>>, vector<1000x128xf32>,
    return
  }
  func.func @transform_0(%arg0: i32) -> (i32, i32, i32) {
    %c0_i32 = arith.constant 0 : i32
    %c0_i32_0 = arith.constant 0 : i32
    %c0_i32_1 = arith.constant 0 : i32
    return %c0_i32, %arg0, %c0_i32_0 : i32, i32, i32
  }
  func.func @transform_1(%arg0: i32) -> (i32, i32, i32) {
    %c1_i32 = arith.constant 1 : i32
    %c0_i32 = arith.constant 0 : i32
    %c0_i32_0 = arith.constant 0 : i32
    return %c1_i32, %arg0, %c0_i32 : i32, i32, i32
  }
  func.func @transform_2(%arg0: i32) -> (i32, i32) {
    %c0_i32 = arith.constant 0 : i32
    %c0_i32_0 = arith.constant 0 : i32
    return %arg0, %c0_i32 : i32, i32
  }
  func.func @transform_3(%arg0: i32) -> (i32, i32, i32) {
    %c0_i32 = arith.constant 0 : i32
    %c0_i32_0 = arith.constant 0 : i32
    %c0_i32_1 = arith.constant 0 : i32
    return %c0_i32, %arg0, %c0_i32_0 : i32, i32, i32
  }
  func.func @transform_4(%arg0: i32) -> (i32, i32, i32) {
    %c1_i32 = arith.constant 1 : i32
    %c0_i32 = arith.constant 0 : i32
    %c0_i32_0 = arith.constant 0 : i32
    return %c1_i32, %arg0, %c0_i32 : i32, i32, i32
  }
  func.func @transform_5(%arg0: i32) -> (i32, i32) {
    %c0_i32 = arith.constant 0 : i32
    %c0_i32_0 = arith.constant 0 : i32
    %c0_i32_1 = arith.constant 0 : i32
    return %c0_i32, %c0_i32_0 : i32, i32
  }
  func.func @transform_6(%arg0: i32) -> (i32, i32) {
    %c0_i32 = arith.constant 0 : i32
    %c0_i32_0 = arith.constant 0 : i32
    %c0_i32_1 = arith.constant 0 : i32
    return %c0_i32, %c0_i32_0 : i32, i32
  }
  func.func @transform_7(%arg0: i32) -> (i32, i32) {
    %c0_i32 = arith.constant 0 : i32
    %c0_i32_0 = arith.constant 0 : i32
    return %arg0, %c0_i32 : i32, i32
  }
}

</mosaic_0001>

<sc_bundles>
// kernel: kernel.6.cloned.1.call-start
scs
__scs_entry_jumppad:
0x0: {  	(pc) =	sbr.rel $0x88, $3  }
0x1: {  	(tag) =	ssettag $0x0;
	lr =	simm.s32 $0x1  }
0x2: {  	[smem:$0x3F9D] =	sst lr;
	_ =	strace $0xD0000000  }
0x3: {  	_ = 	snop  }
0x4: {  	_ = 	snop  }
0x5: {  	_ = 	snop  }
0x6: {  	_ = 	snop  }
0x7: {  	_ = 	snop  }
__scs_overlays_trampoline_lowered:
0x8: {  	[smem:$0x3FAC] =	sst s0  }
0x9: {  	[smem:$0x3FAD] =	sst s1  }
0xa: {  	[smem:$0x3FAE] =	sst s2  }
0xb: {  	[smem:$0x3FAF] =	sst s3  }
0xc: {  	[smem:$0x3FB0] =	sst s4  }
0xd: {  	[smem:$0x3FB1] =	sst s5  }
0xe: {  	[smem:$0x3FB2] =	sst s6  }
0xf: {  	[smem:$0x3FB3] =	sst s7  }
0x10: {  	[smem:$0x3FB4] =	sst s8  }
0x11: {  	[smem:$0x3FB5] =	sst s9;
	s0 =	simm.s32 @!p0 $0x0  }
0x12: {  	s1 =	sld [smem:$0x3F9B];
	s0 =	simm.s32 @p0 $0x1  }
0x13: {  	[smem:$0x3FB6] =	sst s0;
	s0 =	simm.s32 @!p1 $0x0  }
0x14: {  	s2 =	sld [smem:$0x3F9A];
	s0 =	simm.s32 @p1 $0x1  }
0x15: {  	[smem:$0x3FB7] =	sst s0;
	s0 =	simm.s32 @!p2 $0x0  }
0x16: {  	s3 =	sld [smem:$0x3FDB];
	s0 =	simm.s32 @p2 $0x1  }
0x17: {  	s4 =	simm.s32 $0x1BF5;
	[smem:$0x3FB9] =	sst s0  }
0x18: {  	s0 =	sld [smem:$0x3F9C];
	_ =	swait.ge [sflag:s4], $0x0  }
0x19: {  	s7 =	sld [smem:$0x3F9D]  }
0x1a: {  	s8 =	sadd.s32 $0xFFFFE003, lr  }
0x1b: {  	s9 =	sadd.s32 $0xFFFFFEF7, lr;
	s5 =	simm.s32 $0xFFFFFFFF;
	p2 =	slt.u32 s8, $0xFFFFF086  }
0x1c: {  	p1 =	slt.u32 s9, $0xF7A;
	s5 =	simm.s32 @!p2 $0x0  }
0x1d: {  	s5 =	simm.s32 @p1 $0x1;
	p0 =	seq.s32 s7, s2  }
0x1e: {  	s7 =	smul.u32 @!p0 $0xF7A, s2;
	p2 =	seq.s32 @!p0 s5, $0x0  }
0x1f: {  	s9 =	smul.u32 $0xF7A, s1;
	s8 =	simm.s32 @!p0 $0x1BF5;
	p2 =	por !p2, p0  }
0x20: {  	[sflag:s8] =	ssyncset.s32 @!p0 $0xFFFFF086;
	s6 =	sadd.s32 @!p0 s3, s7;
	s7 =	simm.s32 @!p0 $0x108  }
0x21: {  	s3 =	sadd.s32 s3, s9;
	s6 =	sadd.s32 @!p0 $0x88, s6;
	s7 =	simm.s32 @p2 $0x1082  }
0x22: {  	[simem:s7], [sflag:s8] =	dma.local @!p0 [hbm:s6], $0xF7A  }
0x23: {  	s9 =	sor.u32 $0xD0000000, s2;
	s6 =	simm.s32 $0x108;
	_ =	swait.ge @!p0 [sflag:s8], $0x0  }
0x24: {  	s3 =	sadd.s32 $0x88, s3;
	s6 =	simm.s32 @!p1 $0x1082;
	[sflag:s4] =	ssyncset.s32 $0xFFFFF086  }
0x25: {  	[simem:s6], [sflag:s4] =	dma.local [hbm:s3], $0xF7A  }
0x26: {  	[smem:$0x3F9D] =	sst s1;
	(tag) =	ssettag s2;
	_ =	strace s9  }
0x27: {  	s1 =	sld [smem:$0x3FAD]  }
0x28: {  	s2 =	sld [smem:$0x3FAE]  }
0x29: {  	s4 =	sld [smem:$0x3FB0]  }
0x2a: {  	p0 =	seq.s32 s5, $0x0;
	s5 =	sld [smem:$0x3FB1]  }
0x2b: {  	s6 =	sld [smem:$0x3FB2]  }
0x2c: {  	s7 =	sld [smem:$0x3FB3]  }
0x2d: {  	s3 =	simm.s32 $0x108;
	s8 =	sld [smem:$0x3FB4]  }
0x2e: {  	s3 =	simm.s32 @!p0 $0x1082;
	s9 =	sld [smem:$0x3FB5]  }
0x2f: {  	lr =	sadd.s32 s0, s3;
	s0 =	sld [smem:$0x3FAC]  }
0x30: {  	s3 =	sld [smem:$0x3FAF]  }
0x31: {  	[smem:$0x3FB8] =	sst s10  }
0x32: {  	s10 =	sld [smem:$0x3FB6];
	_ =	sdelay $0x3  }
0x33: {  	p0 =	seq.s32 s10, $0x1;
	s10 =	sld [smem:$0x3FB8];
	_ =	sdelay $0x3  }
0x34: {  	[smem:$0x3FB8] =	sst s10  }
0x35: {  	s10 =	sld [smem:$0x3FB7];
	_ =	sdelay $0x3  }
0x36: {  	p1 =	seq.s32 s10, $0x1;
	s10 =	sld [smem:$0x3FB8];
	_ =	sdelay $0x3  }
0x37: {  	[smem:$0x3FB8] =	sst s10  }
0x38: {  	s10 =	sld [smem:$0x3FB9]  }
0x39: {  	_ = 	snop;
	(pc) =	sbr.ind lr, $3  }
0x3a: {  	_ = 	snop  }
0x3b: {  	_ = 	snop  }
0x3c: {  	p2 =	seq.s32 s10, $0x1;
	s10 =	sld [smem:$0x3FB8]  }
0x3d: {  	_ =	shalt  }
0x3e: {  	_ =	shalt  }
0x3f: {  	_ =	shalt  }
0x40: {  	_ =	shalt  }
0x41: {  	_ =	shalt  }
0x42: {  	_ =	shalt  }
0x43: {  	_ =	shalt  }
0x44: {  	_ =	shalt  }
0x45: {  	_ =	shalt  }
0x46: {  	_ =	shalt  }
0x47: {  	_ =	shalt  }
0x48: {  	_ =	shalt  }
0x49: {  	_ =	shalt  }
0x4a: {  	_ =	shalt  }
0x4b: {  	_ =	shalt  }
0x4c: {  	_ =	shalt  }
0x4d: {  	_ =	shalt  }
0x4e: {  	_ =	shalt  }
0x4f: {  	_ =	shalt  }
0x50: {  	_ =	shalt  }
0x51: {  	_ =	shalt  }
0x52: {  	_ =	shalt  }
0x53: {  	_ =	shalt  }
0x54: {  	_ =	shalt  }
0x55: {  	_ =	shalt  }
0x56: {  	_ =	shalt  }
0x57: {  	_ =	shalt  }
0x58: {  	_ =	shalt  }
0x59: {  	_ =	shalt  }
0x5a: {  	_ =	shalt  }
0x5b: {  	_ =	shalt  }
0x5c: {  	_ =	shalt  }
0x5d: {  	_ =	shalt  }
0x5e: {  	_ =	shalt  }
0x5f: {  	_ =	shalt  }
0x60: {  	_ =	shalt  }
0x61: {  	_ =	shalt  }
0x62: {  	_ =	shalt  }
0x63: {  	_ =	shalt  }
0x64: {  	_ =	shalt  }
0x65: {  	_ =	shalt  }
0x66: {  	_ =	shalt  }
0x67: {  	_ =	shalt  }
0x68: {  	_ =	shalt  }
0x69: {  	_ =	shalt  }
0x6a: {  	_ =	shalt  }
0x6b: {  	_ =	shalt  }
0x6c: {  	_ =	shalt  }
0x6d: {  	_ =	shalt  }
0x6e: {  	_ =	shalt  }
0x6f: {  	_ =	shalt  }
0x70: {  	_ =	shalt  }
0x71: {  	_ =	shalt  }
0x72: {  	_ =	shalt  }
0x73: {  	_ =	shalt  }
0x74: {  	_ =	shalt  }
0x75: {  	_ =	shalt  }
0x76: {  	_ =	shalt  }
0x77: {  	_ =	shalt  }
0x78: {  	_ =	shalt  }
0x79: {  	_ =	shalt  }
0x7a: {  	_ =	shalt  }
0x7b: {  	_ =	shalt  }
0x7c: {  	_ =	shalt  }
0x7d: {  	_ =	shalt  }
0x7e: {  	_ =	shalt  }
0x7f: {  	_ =	shalt  }
0x80: {  	_ =	shalt  }
0x81: {  	_ =	shalt  }
0x82: {  	_ =	shalt  }
0x83: {  	_ =	shalt  }
0x84: {  	_ =	shalt  }
0x85: {  	_ =	shalt  }
0x86: {  	_ =	shalt  }
0x87: {  	_ =	shalt  }
.Lfunc_end0:
.L_simem_size_0:
called_computation_lowered:
.L_overlay_start_0:
0x88: {  	s2 =	sld [smem:$0x3FD9]  }
0x89: {  	s3 =	sld [smem:$0x3FFE];
	_ =	sdelay $0x1  }
0x8a: {  	s1 =	srdreg.scid  }
0x8b: {  	s0 =	sand.u32 $0x1, s1  }
0x8c: {  	s17 =	sshll.u32 s0, $0xA;
	s2 =	sadd.s32 s3, s2  }
0x8d: {  	s2 =	sadd.s32 s2, s17  }
0x8e: {  	[smem:$0x3FC4] =	sst s2  }
0x8f: {  	_ = 	snop  }
0x90: {  	s2 =	sld [smem:$0x3FD0];
	(tm) =	ssettm $0x1  }
0x91: {  	s18 =	sld [smem:$0x3FFB];
	_ =	sdelay $0x3  }
0x92: {  	_ =	strace s18  }
0x93: {  	s3 =	sld [smem:$0x3FFC];
	_ =	sdelay $0x3  }
0x94: {  	_ =	strace s3  }
0x95: {  	s3 =	sld [smem:$0x3FFD];
	_ =	sdelay $0x3  }
0x96: {  	_ =	strace s3  }
0x97: {  	_ =	strace $0x8FFFFFFF  }
0x98: {  	s19 =	sld [smem:$0x3FDB];
	_ =	sdelay $0x1  }
0x99: {  	s4 =	simm.s32 $_scs_section_size  }
0x9a: {  	s5 =	simm.s32 $_size__tile_overlayer_lowered;
	s6 =	simm.s32 $_tile_overlayer_lowered  }
0x9b: {  	s22 =	simm.s32 $0x1BFF;
	s21 =	sshll.u32 s6, $0x1;
	s3 =	sadd.s32 s4, s19  }
0x9c: {  	s7 =	simm.s32 $0x0;
	s20 =	sshll.u32 s5, $0x1;
	s5 =	sadd.s32 s21, s3  }
0x9d: {  	[timem:s7], [sflag:s22] =	dma.local [hbm:s5], s20  }
0x9e: {  	_ =	swait.ge [sflag:s22], s20  }
0x9f: {  	s4 =	ssub.s32 $0x0, s20;
	[sflag:s22] =	ssyncset.done $0x0  }
0xa0: {  	[sflag:s22] =	ssyncadd.s32 s4;
	_ =	sdelay $0x1  }
0xa1: {  	s23 =	simm.s32 $0x1B8B  }
0xa2: {  	_ =	swait.ge [sflag:s23], $0x1  }
0xa3: {  	[sflag:s23] =	ssyncset.done $0x0  }
0xa4: {  	s25 =	simm.s32 $0x1B8E;
	s24 =	sld [smem:$0x3FFE];
	[sflag:s23] =	ssyncadd.s32 $0xFFFFFFFF  }
0xa5: {  	s26 =	simm.s32 $execute0_lowered;
	[smem:$0x3FD2] =	sst s25  }
0xa6: {  	s5 =	sshll.u32 s26, $0x1;
	_ =	strace $0x80000046;
	[dreg:$0x1] =	wrdreg $0xFFFFFFFF  }
0xa7: {  	s28 =	simm.s32 $_size_execute0_lowered;
	s3 =	sadd.s32 s3, s5;
	[dreg:$0x0] =	wrdreg $0x0  }
0xa8: {  	s5 =	sshll.u32 s28, $0x1;
	[dreg:$0x2] =	wrdreg s3  }
0xa9: {  	[dreg:$0x3] =	wrdreg s5  }
0xaa: {  	[dreg:$0x4] =	wrdreg $0xC0  }
0xab: {  	_ =	task [dreg:s7], $0x5FFFF  }
0xac: {  	[dreg:$0x1] =	wrdreg $0xFFFFFFFF  }
0xad: {  	[dreg:$0x0] =	wrdreg $0x60  }
0xae: {  	[dreg:$0x2] =	wrdreg s2  }
0xaf: {  	[dreg:$0x3] =	wrdreg s24  }
0xb0: {  	[dreg:$0x4] =	wrdreg $0x40800  }
0xb1: {  	[dreg:$0x5] =	wrdreg $0x9  }
0xb2: {  	_ =	task.clear_ibuf [dreg:s7], $0x6FFFF;
	_ =	strace $0x90000046  }
0xb3: {  	s29 =	simm.s32 $0x9;
	_ =	strace $0x80000048  }
0xb4: {  	_ =	swait.ge [sflag:s29], $0x1  }
0xb5: {  	[sflag:s29] =	ssyncadd.s32 $0xFFFFFFFF  }
0xb6: {  	_ =	strace $0x90000048  }
0xb7: {  	_ =	sfence  }
0xb8: {  	s30 =	sld [smem:$0x0];
	_ =	sdelay $0x2  }
0xb9: {  	s31 =	sshll.u32 s1, $0xD;
	s1 =	sshrl.u32 s1, $0x2  }
0xba: {  	s3 =	sand.u32 $0x4000, s31;
	s1 =	sadd.s32 s1, s30  }
0xbb: {  	s0 =	sor.u32 s3, s0;
	s1 =	sshll.u32 s1, $0x11  }
0xbc: {  	s0 =	sor.u32 s1, s0  }
0xbd: {  	s0 =	sadd.s32 $0x8F2B, s0  }
0xbe: {  	[sflag:s0] =	ssyncadd.remote.s32 $0x1  }
0xbf: {  	_ =	sfence.sel $0xFFFF  }
0xc0: {  	[dreg:$0x0] =	wrdreg $0xFFFFFFFF;
	(pc) =	sbr.abs _section_cstart, $3  }
0xc1: {  	[dreg:$0x1] =	wrdreg $0xFFFFFFFF  }
0xc2: {  	_ =	task.clear_ibuf [dreg:s7], $0x2FFFF;
	_ =	strace $0x9FFFFFFF  }
0xc3: {  	(tm) =	ssettm $0x7FFFFFFF  }
tec
execute0_lowered:
.L_overlay_start_1:
0x0: {  	(tag) =	ssettag $0x1  }
0x1: {  	s4 =	rddreg [dreg:$0x0]  }
0x2: {  	s5 =	rddreg [dreg:$0x1]  }
0x3: {  	s2 =	rddreg [dreg:$0x2]  }
0x4: {  	s0 =	rddreg [dreg:$0x3];
	s1 =	stileid.u32  }
0x5: {  	s6 =	srdreg.scid;
	s3 =	simm.s32 $0x0;
	s13 =	simm.s32 $0x20  }
0x6: {  	s14 =	simm.s32 $0x10;
	s15 =	simm.s32 $0x0;
	s7 =	smul.u32 $0x500, s1  }
0x7: {  	s6 =	sand.u32 $0x1, s6;
	[smem:$0x7FF] =	sst s3;
	s8 =	smul.u32 $0x280, s1  }
0x8: {  	s30 =	sshll.u32 s1, $0xB;
	s31 =	sshll.u32 s1, $0x6;
	s9 =	sshll.u32 s6, $0x7  }
0x9: {  	_ =	strace $0x80000047;
	s10 =	ssub.s32 $0x2, s6;
	s6 =	sshll.u32 s6, $0xF  }
0xa: {  	s12 =	sadd.s32 s4, s30;
	s7 =	sor.u32 s9, s7;
	s28 =	sshrl.u32 s8, $0x3  }
0xb: {  	s29 =	sshrl.u32 s10, $0x1;
	s11 =	sadd.s32 s8, s2;
	s6 =	sadd.s32 s6, s12  }
0xc: {  	s12 =	simm.s32 $0x4000;
	s7 =	sshrl.u32 s7, $0x3;
	s9 =	sadd.s32 s28, s5  }
0xd: {  	s10 =	ssub.s32 s10, s29;
	s7 =	sadd.s32 s7, s5;
	s4 =	sadd.s32 $0x1600, s9  }
0xe: {  	s5 =	sor.u32 $0x1C01, s31;
	s8 =	smax.u32 s10, $0x1;
	s9 =	sshrl.u32 s11, $0x3  }
0xf: {  	v0 =	vimm.f32 $1.000000000e+00;
	s10 =	simm.s32 $0x1;
	s11 =	simm.s32 $0x50;
	s7 =	sadd.s32 $0x1C00, s7  }
.LBB2_1:
0x10: {  	[spmem:s9], [sflag:s5] =	dma.local [hbm:s4], $0x50  }
0x11: {  	_ =	swait.ge [sflag:s10], $0x50  }
0x12: {  	[sflag:s10] =	ssyncset.done $0x0  }
0x13: {  	[sflag:s10] =	ssyncadd.s32 $0xFFFFFFB0  }
0x14: {  	[tilespmem:s3], [sflag:$0x1] =	stream.linear.gather [hbm4b:s6+s3], $0x3E80, $0x38;
	[tilespmem:$0x4300] =	vst v63  }
0x15: {  	_ =	swait.ge [sflag:s10], $0x3E80  }
0x16: {  	[sflag:s10] =	ssyncset.done $0x0  }
0x17: {  	[sflag:s10] =	ssyncadd.s32 $0xFFFFC180  }
0x18: {  	[tilespmem:$0x4000] =	vst v0  }
0x19: {  	[tilespmem:$0x4010] =	vst v0  }
0x1a: {  	[tilespmem:$0x4020] =	vst v0  }
0x1b: {  	[tilespmem:$0x4030] =	vst v0  }
0x1c: {  	[tilespmem:$0x4040] =	vst v0  }
0x1d: {  	s16 =	simm.s32 $0x0;
	[bflag:$0x0] =	sbarrier.arrive $0xFFFF  }
0x1e: {  	[spmem:s2] =	stream.indirect.scatter.add.f32 [tilespmem:s12], [sflag:$0x1], $0x1, s16, s11, $0xb8;
	[tilespmem:$0x4300] =	vst v63  }
0x1f: {  	_ =	swait.ge [sflag:s10], $0x50  }
0x20: {  	s16 =	simm.s32 $0x200;
	[sflag:s10] =	ssyncset.done $0x0  }
.LBB2_2:
0x21: {  	s17 =	sshra.s32 s16, $0x2;
	[sflag:s10] =	ssyncadd.s32 $0xFFFFFFB0;
	p0 =	sne.s32 s16, $0xF800  }
0x22: {  	[spmem:s2] =	stream.indirect.scatter.add.f32 [tilespmem:s12], [sflag:$0x1], $0x1, s17, s11, $0xb8;
	[tilespmem:$0x4300] =	vst v63  }
.Ltmp0:
0x23: {  	_ = 	snop;
	(pc) =	sbr.rel @p0 .LBB2_2-.Ltmp0, $4  }
0x24: {  	_ = 	snop  }
0x25: {  	s16 =	sadd.s32 $0x200, s16  }
0x26: {  	_ =	swait.ge [sflag:s10], $0x50  }
0x27: {  	[sflag:s10] =	ssyncset.done $0x0  }
0x28: {  	s15 =	sadd.s32 $0x1, s15  }
0x29: {  	[sflag:s10] =	ssyncadd.s32 $0xFFFFFFB0;
	p0 =	sne.s32 s15, s8  }
.Ltmp1:
0x2a: {  	[bflag:$0x0] =	sbarrier.arrive $0xFFFF;
	(pc) =	sbr.rel @p0 .LBB2_1-.Ltmp1, $4  }
0x2b: {  	[hbm:s7@s13], [sflag:s5] =	dma.strided [spmem:s9@s14], $0x50, s10, $0x10   }
0x2c: {  	_ =	swait.ge [sflag:s10], $0x50  }
0x2d: {  	[sflag:s10] =	ssyncset.done $0x0  }
0x2e: {  	[sflag:s10] =	ssyncadd.s32 $0xFFFFFFB0  }
0x2f: {  	_ =	sfence.sel $0x180000  }
0x30: {  	[bflag:$0x0] =	sbarrier.arrive $0xFFFF  }
0x31: {  	p0 =	sne.s32 s1, $0x0;
	_ =	strace $0x90000047  }
0x32: {  	s0 =	sadd.s32 @!p0 $0x100000, s0;
	[bflag:$0x2] =	sbarrier.arrive $0xFFFF  }
0x33: {  	[sflag:s0] =	ssyncadd.tile.s32 @!p0 $0x1;
	_ =	shalt  }
.Lfunc_end2:
_tile_overlayer_lowered:
.L_overlay_start_2:
0x34: {  	(tag) =	ssettag $0x2  }
0x35: {  	s0 =	rddreg [dreg:$0x0];
	s2 =	stileid.u32  }
0x36: {  	s1 =	rddreg [dreg:$0x1];
	p0 =	sne.s32 s2, $0x0  }
0x37: {  	s3 =	rddreg [dreg:$0x2];
	[bflag:$0x3] =	sbarrier.arrive $0xFFFF;
	s2 =	simm.s32 @!p0 $0x1C01  }
0x38: {  	[timem:s3], [sflag:s2] =	dma.local @!p0 [hbm:s0], s1  }
0x39: {  	s0 =	simm.s32 @!p0 $0x1  }
0x3a: {  	_ =	swait.ge @!p0 [sflag:s0], s1  }
0x3b: {  	s1 =	ssub.s32 @!p0 $0x0, s1;
	[sflag:s0] =	ssyncset.done @!p0 $0x0  }
0x3c: {  	[sflag:s0] =	ssyncadd.s32 @!p0 s1  }
0x3d: {  	[bflag:$0x3] =	sbarrier.arrive $0xFFFF  }
0x3e: {  	_ =	shalt  }

// kernel: kernel.9.cloned.1.call-start
scs
__scs_entry_jumppad:
0x0: {  	(pc) =	sbr.rel $0x88, $3  }
0x1: {  	(tag) =	ssettag $0x0;
	lr =	simm.s32 $0x1  }
0x2: {  	[smem:$0x3F9D] =	sst lr;
	_ =	strace $0xD0000000  }
0x3: {  	_ = 	snop  }
0x4: {  	_ = 	snop  }
0x5: {  	_ = 	snop  }
0x6: {  	_ = 	snop  }
0x7: {  	_ = 	snop  }
__scs_overlays_trampoline_lowered:
0x8: {  	[smem:$0x3FAC] =	sst s0  }
0x9: {  	[smem:$0x3FAD] =	sst s1  }
0xa: {  	[smem:$0x3FAE] =	sst s2  }
0xb: {  	[smem:$0x3FAF] =	sst s3  }
0xc: {  	[smem:$0x3FB0] =	sst s4  }
0xd: {  	[smem:$0x3FB1] =	sst s5  }
0xe: {  	[smem:$0x3FB2] =	sst s6  }
0xf: {  	[smem:$0x3FB3] =	sst s7  }
0x10: {  	[smem:$0x3FB4] =	sst s8  }
0x11: {  	[smem:$0x3FB5] =	sst s9;
	s0 =	simm.s32 @!p0 $0x0  }
0x12: {  	s1 =	sld [smem:$0x3F9B];
	s0 =	simm.s32 @p0 $0x1  }
0x13: {  	[smem:$0x3FB6] =	sst s0;
	s0 =	simm.s32 @!p1 $0x0  }
0x14: {  	s2 =	sld [smem:$0x3F9A];
	s0 =	simm.s32 @p1 $0x1  }
0x15: {  	[smem:$0x3FB7] =	sst s0;
	s0 =	simm.s32 @!p2 $0x0  }
0x16: {  	s3 =	sld [smem:$0x3FDB];
	s0 =	simm.s32 @p2 $0x1  }
0x17: {  	s4 =	simm.s32 $0x1BF5;
	[smem:$0x3FB9] =	sst s0  }
0x18: {  	s0 =	sld [smem:$0x3F9C];
	_ =	swait.ge [sflag:s4], $0x0  }
0x19: {  	s7 =	sld [smem:$0x3F9D]  }
0x1a: {  	s8 =	sadd.s32 $0xFFFFE003, lr  }
0x1b: {  	s9 =	sadd.s32 $0xFFFFFEF7, lr;
	s5 =	simm.s32 $0xFFFFFFFF;
	p2 =	slt.u32 s8, $0xFFFFF086  }
0x1c: {  	p1 =	slt.u32 s9, $0xF7A;
	s5 =	simm.s32 @!p2 $0x0  }
0x1d: {  	s5 =	simm.s32 @p1 $0x1;
	p0 =	seq.s32 s7, s2  }
0x1e: {  	s7 =	smul.u32 @!p0 $0xF7A, s2;
	p2 =	seq.s32 @!p0 s5, $0x0  }
0x1f: {  	s9 =	smul.u32 $0xF7A, s1;
	s8 =	simm.s32 @!p0 $0x1BF5;
	p2 =	por !p2, p0  }
0x20: {  	[sflag:s8] =	ssyncset.s32 @!p0 $0xFFFFF086;
	s6 =	sadd.s32 @!p0 s3, s7;
	s7 =	simm.s32 @!p0 $0x108  }
0x21: {  	s3 =	sadd.s32 s3, s9;
	s6 =	sadd.s32 @!p0 $0x88, s6;
	s7 =	simm.s32 @p2 $0x1082  }
0x22: {  	[simem:s7], [sflag:s8] =	dma.local @!p0 [hbm:s6], $0xF7A  }
0x23: {  	s9 =	sor.u32 $0xD0000000, s2;
	s6 =	simm.s32 $0x108;
	_ =	swait.ge @!p0 [sflag:s8], $0x0  }
0x24: {  	s3 =	sadd.s32 $0x88, s3;
	s6 =	simm.s32 @!p1 $0x1082;
	[sflag:s4] =	ssyncset.s32 $0xFFFFF086  }
0x25: {  	[simem:s6], [sflag:s4] =	dma.local [hbm:s3], $0xF7A  }
0x26: {  	[smem:$0x3F9D] =	sst s1;
	(tag) =	ssettag s2;
	_ =	strace s9  }
0x27: {  	s1 =	sld [smem:$0x3FAD]  }
0x28: {  	s2 =	sld [smem:$0x3FAE]  }
0x29: {  	s4 =	sld [smem:$0x3FB0]  }
0x2a: {  	p0 =	seq.s32 s5, $0x0;
	s5 =	sld [smem:$0x3FB1]  }
0x2b: {  	s6 =	sld [smem:$0x3FB2]  }
0x2c: {  	s7 =	sld [smem:$0x3FB3]  }
0x2d: {  	s3 =	simm.s32 $0x108;
	s8 =	sld [smem:$0x3FB4]  }
0x2e: {  	s3 =	simm.s32 @!p0 $0x1082;
	s9 =	sld [smem:$0x3FB5]  }
0x2f: {  	lr =	sadd.s32 s0, s3;
	s0 =	sld [smem:$0x3FAC]  }
0x30: {  	s3 =	sld [smem:$0x3FAF]  }
0x31: {  	[smem:$0x3FB8] =	sst s10  }
0x32: {  	s10 =	sld [smem:$0x3FB6];
	_ =	sdelay $0x3  }
0x33: {  	p0 =	seq.s32 s10, $0x1;
	s10 =	sld [smem:$0x3FB8];
	_ =	sdelay $0x3  }
0x34: {  	[smem:$0x3FB8] =	sst s10  }
0x35: {  	s10 =	sld [smem:$0x3FB7];
	_ =	sdelay $0x3  }
0x36: {  	p1 =	seq.s32 s10, $0x1;
	s10 =	sld [smem:$0x3FB8];
	_ =	sdelay $0x3  }
0x37: {  	[smem:$0x3FB8] =	sst s10  }
0x38: {  	s10 =	sld [smem:$0x3FB9]  }
0x39: {  	_ = 	snop;
	(pc) =	sbr.ind lr, $3  }
0x3a: {  	_ = 	snop  }
0x3b: {  	_ = 	snop  }
0x3c: {  	p2 =	seq.s32 s10, $0x1;
	s10 =	sld [smem:$0x3FB8]  }
0x3d: {  	_ =	shalt  }
0x3e: {  	_ =	shalt  }
0x3f: {  	_ =	shalt  }
0x40: {  	_ =	shalt  }
0x41: {  	_ =	shalt  }
0x42: {  	_ =	shalt  }
0x43: {  	_ =	shalt  }
0x44: {  	_ =	shalt  }
0x45: {  	_ =	shalt  }
0x46: {  	_ =	shalt  }
0x47: {  	_ =	shalt  }
0x48: {  	_ =	shalt  }
0x49: {  	_ =	shalt  }
0x4a: {  	_ =	shalt  }
0x4b: {  	_ =	shalt  }
0x4c: {  	_ =	shalt  }
0x4d: {  	_ =	shalt  }
0x4e: {  	_ =	shalt  }
0x4f: {  	_ =	shalt  }
0x50: {  	_ =	shalt  }
0x51: {  	_ =	shalt  }
0x52: {  	_ =	shalt  }
0x53: {  	_ =	shalt  }
0x54: {  	_ =	shalt  }
0x55: {  	_ =	shalt  }
0x56: {  	_ =	shalt  }
0x57: {  	_ =	shalt  }
0x58: {  	_ =	shalt  }
0x59: {  	_ =	shalt  }
0x5a: {  	_ =	shalt  }
0x5b: {  	_ =	shalt  }
0x5c: {  	_ =	shalt  }
0x5d: {  	_ =	shalt  }
0x5e: {  	_ =	shalt  }
0x5f: {  	_ =	shalt  }
0x60: {  	_ =	shalt  }
0x61: {  	_ =	shalt  }
0x62: {  	_ =	shalt  }
0x63: {  	_ =	shalt  }
0x64: {  	_ =	shalt  }
0x65: {  	_ =	shalt  }
0x66: {  	_ =	shalt  }
0x67: {  	_ =	shalt  }
0x68: {  	_ =	shalt  }
0x69: {  	_ =	shalt  }
0x6a: {  	_ =	shalt  }
0x6b: {  	_ =	shalt  }
0x6c: {  	_ =	shalt  }
0x6d: {  	_ =	shalt  }
0x6e: {  	_ =	shalt  }
0x6f: {  	_ =	shalt  }
0x70: {  	_ =	shalt  }
0x71: {  	_ =	shalt  }
0x72: {  	_ =	shalt  }
0x73: {  	_ =	shalt  }
0x74: {  	_ =	shalt  }
0x75: {  	_ =	shalt  }
0x76: {  	_ =	shalt  }
0x77: {  	_ =	shalt  }
0x78: {  	_ =	shalt  }
0x79: {  	_ =	shalt  }
0x7a: {  	_ =	shalt  }
0x7b: {  	_ =	shalt  }
0x7c: {  	_ =	shalt  }
0x7d: {  	_ =	shalt  }
0x7e: {  	_ =	shalt  }
0x7f: {  	_ =	shalt  }
0x80: {  	_ =	shalt  }
0x81: {  	_ =	shalt  }
0x82: {  	_ =	shalt  }
0x83: {  	_ =	shalt  }
0x84: {  	_ =	shalt  }
0x85: {  	_ =	shalt  }
0x86: {  	_ =	shalt  }
0x87: {  	_ =	shalt  }
.Lfunc_end0:
.L_simem_size_0:
called_computation.1_lowered:
.L_overlay_start_0:
0x88: {  	s2 =	sld [smem:$0x3FD9]  }
0x89: {  	s3 =	sld [smem:$0x3FFE];
	_ =	sdelay $0x1  }
0x8a: {  	s1 =	srdreg.scid  }
0x8b: {  	s0 =	sand.u32 $0x1, s1  }
0x8c: {  	s17 =	sshll.u32 s0, $0xA;
	s2 =	sadd.s32 s3, s2  }
0x8d: {  	s2 =	sadd.s32 s2, s17  }
0x8e: {  	[smem:$0x3FC4] =	sst s2  }
0x8f: {  	_ = 	snop  }
0x90: {  	s2 =	sld [smem:$0x3FD0];
	(tm) =	ssettm $0x1  }
0x91: {  	s18 =	sld [smem:$0x3FFB];
	_ =	sdelay $0x3  }
0x92: {  	_ =	strace s18  }
0x93: {  	s3 =	sld [smem:$0x3FFC];
	_ =	sdelay $0x3  }
0x94: {  	_ =	strace s3  }
0x95: {  	s3 =	sld [smem:$0x3FFD];
	_ =	sdelay $0x3  }
0x96: {  	_ =	strace s3  }
0x97: {  	_ =	strace $0x8FFFFFFF  }
0x98: {  	s19 =	sld [smem:$0x3FDB];
	_ =	sdelay $0x1  }
0x99: {  	s4 =	simm.s32 $_scs_section_size  }
0x9a: {  	s5 =	simm.s32 $_size__tile_overlayer_lowered;
	s6 =	simm.s32 $_tile_overlayer_lowered  }
0x9b: {  	s22 =	simm.s32 $0x1BFF;
	s21 =	sshll.u32 s6, $0x1;
	s3 =	sadd.s32 s4, s19  }
0x9c: {  	s7 =	simm.s32 $0x0;
	s20 =	sshll.u32 s5, $0x1;
	s5 =	sadd.s32 s21, s3  }
0x9d: {  	[timem:s7], [sflag:s22] =	dma.local [hbm:s5], s20  }
0x9e: {  	_ =	swait.ge [sflag:s22], s20  }
0x9f: {  	s4 =	ssub.s32 $0x0, s20;
	[sflag:s22] =	ssyncset.done $0x0  }
0xa0: {  	[sflag:s22] =	ssyncadd.s32 s4;
	_ =	sdelay $0x1  }
0xa1: {  	s23 =	simm.s32 $0x1B8B  }
0xa2: {  	_ =	swait.ge [sflag:s23], $0x1  }
0xa3: {  	[sflag:s23] =	ssyncset.done $0x0  }
0xa4: {  	s25 =	simm.s32 $0x1B8E;
	s24 =	sld [smem:$0x3FFE];
	[sflag:s23] =	ssyncadd.s32 $0xFFFFFFFF  }
0xa5: {  	s26 =	simm.s32 $execute0_lowered;
	[smem:$0x3FD2] =	sst s25  }
0xa6: {  	s5 =	sshll.u32 s26, $0x1;
	_ =	strace $0x80000049;
	[dreg:$0x1] =	wrdreg $0xFFFFFFFF  }
0xa7: {  	s28 =	simm.s32 $_size_execute0_lowered;
	s3 =	sadd.s32 s3, s5;
	[dreg:$0x0] =	wrdreg $0x0  }
0xa8: {  	s5 =	sshll.u32 s28, $0x1;
	[dreg:$0x2] =	wrdreg s3  }
0xa9: {  	[dreg:$0x3] =	wrdreg s5  }
0xaa: {  	[dreg:$0x4] =	wrdreg $0xC0  }
0xab: {  	_ =	task [dreg:s7], $0x5FFFF  }
0xac: {  	[dreg:$0x1] =	wrdreg $0xFFFFFFFF  }
0xad: {  	[dreg:$0x0] =	wrdreg $0x60  }
0xae: {  	[dreg:$0x2] =	wrdreg s24  }
0xaf: {  	[dreg:$0x3] =	wrdreg s2  }
0xb0: {  	[dreg:$0x4] =	wrdreg $0xA8000  }
0xb1: {  	[dreg:$0x5] =	wrdreg $0x9  }
0xb2: {  	_ =	task.clear_ibuf [dreg:s7], $0x6FFFF;
	_ =	strace $0x90000049  }
0xb3: {  	s29 =	simm.s32 $0x9;
	_ =	strace $0x8000004B  }
0xb4: {  	_ =	swait.ge [sflag:s29], $0x1  }
0xb5: {  	[sflag:s29] =	ssyncadd.s32 $0xFFFFFFFF  }
0xb6: {  	_ =	strace $0x9000004B  }
0xb7: {  	_ =	sfence  }
0xb8: {  	s30 =	sld [smem:$0x0];
	_ =	sdelay $0x2  }
0xb9: {  	s31 =	sshll.u32 s1, $0xD;
	s1 =	sshrl.u32 s1, $0x2  }
0xba: {  	s3 =	sand.u32 $0x4000, s31;
	s1 =	sadd.s32 s1, s30  }
0xbb: {  	s0 =	sor.u32 s3, s0;
	s1 =	sshll.u32 s1, $0x11  }
0xbc: {  	s0 =	sor.u32 s1, s0  }
0xbd: {  	s0 =	sadd.s32 $0x8F2B, s0  }
0xbe: {  	[sflag:s0] =	ssyncadd.remote.s32 $0x1  }
0xbf: {  	_ =	sfence.sel $0xFFFF  }
0xc0: {  	[dreg:$0x0] =	wrdreg $0xFFFFFFFF;
	(pc) =	sbr.abs _section_cstart, $3  }
0xc1: {  	[dreg:$0x1] =	wrdreg $0xFFFFFFFF  }
0xc2: {  	_ =	task.clear_ibuf [dreg:s7], $0x2FFFF;
	_ =	strace $0x9FFFFFFF  }
0xc3: {  	(tm) =	ssettm $0x7FFFFFFF  }
tec
execute0_lowered:
.L_overlay_start_1:
0x0: {  	(tag) =	ssettag $0x1  }
0x1: {  	s6 =	rddreg [dreg:$0x0]  }
0x2: {  	s1 =	rddreg [dreg:$0x1]  }
0x3: {  	s2 =	rddreg [dreg:$0x2]  }
0x4: {  	s3 =	srdreg.scid;
	s0 =	rddreg [dreg:$0x3]  }
0x5: {  	s4 =	simm.s32 $0x0;
	s15 =	simm.s32 $0x1400;
	s16 =	simm.s32 $0x7D  }
0x6: {  	s17 =	simm.s32 $0x2800;
	s18 =	simm.s32 $0x1;
	s19 =	simm.s32 $0x80  }
0x7: {  	s20 =	simm.s32 $0x6800;
	s21 =	simm.s32 $0x2;
	s5 =	sand.u32 $0x1, s3  }
0x8: {  	s22 =	simm.s32 $0x3;
	s3 =	stileid.u32;
	s7 =	smul.u32 $0x140000, s5  }
0x9: {  	s23 =	simm.s32 $0x4;
	[smem:$0x7FF] =	sst s4;
	s8 =	smul.u32 $0x14000, s3  }
0xa: {  	s9 =	sadd.s32 $0xC600, s6;
	s11 =	sadd.s32 $0x2600, s6;
	s10 =	smul.u32 $0x50000, s3  }
0xb: {  	_ =	strace $0x8000004A;
	s24 =	smul.u32 $0x28000, s5;
	s12 =	ssub.s32 $0x2, s5  }
0xc: {  	s13 =	smul.u32 $0x2800, s3;
	s5 =	sadd.s32 $0x16600, s6;
	s25 =	sshrl.u32 s12, $0x1  }
0xd: {  	s30 =	sshll.u32 s3, $0x6;
	s7 =	sadd.s32 s8, s7;
	s12 =	ssub.s32 s12, s25  }
0xe: {  	s26 =	sshrl.u32 s10, $0x2;
	s28 =	sadd.s32 s13, s24;
	s24 =	simm.s32 $0x2780  }
0xf: {  	s25 =	simm.s32 $0x0;
	s7 =	sshrl.u32 s7, $0x3;
	s29 =	sadd.s32 s26, s2  }
0x10: {  	s8 =	sshrl.u32 s28, $0x3;
	s12 =	smax.u32 s12, $0x1;
	s14 =	sadd.s32 s7, s6  }
0x11: {  	s6 =	sor.u32 $0x1C05, s30;
	s7 =	sadd.s32 s9, s8;
	s31 =	sadd.s32 $0x280, s8  }
0x12: {  	s8 =	sadd.s32 s11, s8;
	s13 =	sshrl.u32 s29, $0x3;
	s9 =	sadd.s32 s9, s31  }
0x13: {  	s10 =	sadd.s32 s11, s31;
	s11 =	sadd.s32 $0x18E00, s14;
	s14 =	simm.s32 $0x5  }
.LBB2_1:
0x14: {  	[spmem:s13], [sflag:s6] =	dma.local [hbm:s5], $0x2800  }
0x15: {  	_ =	swait.ge [sflag:s14], $0x2800  }
0x16: {  	[sflag:s14] =	ssyncset.done $0x0  }
0x17: {  	[sflag:s14] =	ssyncadd.s32 $0xFFFFD800  }
0x18: {  	[bflag:$0x0] =	sbarrier.arrive $0xFFFF  }
0x19: {  	[tilespmem:s4], [sflag:$0x5] =	stream.linear.gather [hbm4b:s7+s4], $0x1400, $0x38;
	[tilespmem:$0x1E800] =	vst v63  }
0x1a: {  	_ =	swait.ge [sflag:s14], $0x1400  }
0x1b: {  	[sflag:s14] =	ssyncset.done $0x0  }
0x1c: {  	[sflag:s14] =	ssyncadd.s32 $0xFFFFEC00  }
0x1d: {  	[tilespmem:s15], [sflag:$0x5] =	stream.linear.gather [hbm4b:s8+s4], $0x1400, $0x38;
	[tilespmem:$0x1E800] =	vst v63  }
0x1e: {  	_ =	swait.ge [sflag:s14], $0x1400  }
0x1f: {  	[sflag:s14] =	ssyncset.done $0x0  }
0x20: {  	[sflag:s14] =	ssyncadd.s32 $0xFFFFEC00  }
0x21: {  	[tilespmem:s17], [sflag:$0x1] =	stream.indirect.gather [hbm4b:s1+s16], $0x80, s4, s16, $0xb8;
	[tilespmem:$0x1E800] =	vst v63  }
0x22: {  	_ =	swait.ge [sflag:s18], $0x3E80  }
0x23: {  	[sflag:s18] =	ssyncset.done $0x0  }
0x24: {  	[sflag:s18] =	ssyncadd.s32 $0xFFFFC180  }
0x25: {  	[spmem:s2] =	stream.indirect.scatter.add.f32 [tilespmem:s17], [sflag:$0x3], $0x80, s15, s16, $0xb8;
	[tilespmem:$0x1E800] =	vst v63  }
0x26: {  	_ = 	snop  }
0x27: {  	[tilespmem:s20], [sflag:$0x2] =	stream.indirect.gather [hbm4b:s1+s16], $0x80, s19, s16, $0xb8;
	[tilespmem:$0x1E800] =	vst v63  }
0x28: {  	_ =	swait.ge [sflag:s21], $0x3E80  }
0x29: {  	[sflag:s21] =	ssyncset.done $0x0  }
0x2a: {  	s26 =	simm.s32 $0x1480;
	[sflag:s21] =	ssyncadd.s32 $0xFFFFC180  }
0x2b: {  	[spmem:s2] =	stream.indirect.scatter.add.f32 [tilespmem:s20], [sflag:$0x4], $0x80, s26, s16, $0xb8;
	[tilespmem:$0x1E800] =	vst v63  }
0x2c: {  	_ =	swait.ge [sflag:s22], $0x3E80  }
0x2d: {  	[sflag:s22] =	ssyncset.done $0x0  }
0x2e: {  	s30 =	simm.s32 $0x100;
	[sflag:s22] =	ssyncadd.s32 $0xFFFFC180  }
0x2f: {  	[tilespmem:s17], [sflag:$0x1] =	stream.indirect.gather [hbm4b:s1+s16], $0x80, s30, s16, $0xb8;
	[tilespmem:$0x1E800] =	vst v63  }
0x30: {  	_ =	swait.ge [sflag:s18], $0x3E80  }
0x31: {  	[sflag:s18] =	ssyncset.done $0x0  }
0x32: {  	s31 =	simm.s32 $0x1500;
	[sflag:s18] =	ssyncadd.s32 $0xFFFFC180  }
0x33: {  	[spmem:s2] =	stream.indirect.scatter.add.f32 [tilespmem:s17], [sflag:$0x3], $0x80, s31, s16, $0xb8;
	[tilespmem:$0x1E800] =	vst v63  }
0x34: {  	_ =	swait.ge [sflag:s23], $0x3E80  }
0x35: {  	[sflag:s23] =	ssyncset.done $0x0  }
0x36: {  	s28 =	simm.s32 $0x180;
	s26 =	simm.s32 $0xFFFFB800;
	[sflag:s23] =	ssyncadd.s32 $0xFFFFC180  }
.LBB2_2:
0x37: {  	[tilespmem:s20], [sflag:$0x2] =	stream.indirect.gather [hbm4b:s1+s16], $0x80, s28, s16, $0xb8;
	[tilespmem:$0x1E800] =	vst v63  }
0x38: {  	s28 =	smov.u32 s26  }
0x39: {  	p0 =	sne.s32 s26, $0xFFFFFC00;
	s26 =	sadd.s32 $0x400, s26;
	_ =	swait.ge [sflag:s21], $0x3E80  }
0x3a: {  	s28 =	sshra.s32 s28, $0x2;
	[sflag:s21] =	ssyncset.done $0x0  }
0x3b: {  	s29 =	sadd.s32 $0x2780, s28;
	[sflag:s21] =	ssyncadd.s32 $0xFFFFC180  }
0x3c: {  	[spmem:s2] =	stream.indirect.scatter.add.f32 [tilespmem:s20], [sflag:$0x4], $0x80, s29, s16, $0xb8;
	[tilespmem:$0x1E800] =	vst v63  }
0x3d: {  	_ =	swait.ge [sflag:s22], $0x3E80  }
0x3e: {  	[sflag:s22] =	ssyncset.done $0x0  }
0x3f: {  	s29 =	sadd.s32 $0x1400, s28;
	[sflag:s22] =	ssyncadd.s32 $0xFFFFC180  }
0x40: {  	[tilespmem:s17], [sflag:$0x1] =	stream.indirect.gather [hbm4b:s1+s16], $0x80, s29, s16, $0xb8;
	[tilespmem:$0x1E800] =	vst v63  }
0x41: {  	_ =	swait.ge [sflag:s18], $0x3E80  }
0x42: {  	[sflag:s18] =	ssyncset.done $0x0  }
.Ltmp0:
0x43: {  	s29 =	sadd.s32 $0x2800, s28;
	[sflag:s18] =	ssyncadd.s32 $0xFFFFC180;
	(pc) =	sbr.rel @p0 .LBB2_2-.Ltmp0, $4  }
0x44: {  	[spmem:s2] =	stream.indirect.scatter.add.f32 [tilespmem:s17], [sflag:$0x3], $0x80, s29, s16, $0xb8;
	[tilespmem:$0x1E800] =	vst v63  }
0x45: {  	_ =	swait.ge [sflag:s23], $0x3E80  }
0x46: {  	[sflag:s23] =	ssyncset.done $0x0  }
0x47: {  	s28 =	sadd.s32 $0x1480, s28;
	[sflag:s23] =	ssyncadd.s32 $0xFFFFC180  }
0x48: {  	[tilespmem:s20], [sflag:$0x2] =	stream.indirect.gather [hbm4b:s1+s16], $0x80, s28, s16, $0xb8;
	[tilespmem:$0x1E800] =	vst v63  }
0x49: {  	_ =	swait.ge [sflag:s21], $0x3E80  }
0x4a: {  	[sflag:s21] =	ssyncset.done $0x0  }
0x4b: {  	[sflag:s21] =	ssyncadd.s32 $0xFFFFC180  }
0x4c: {  	[spmem:s2] =	stream.indirect.scatter.add.f32 [tilespmem:s20], [sflag:$0x4], $0x80, s24, s16, $0xb8;
	[tilespmem:$0x1E800] =	vst v63  }
0x4d: {  	_ =	swait.ge [sflag:s22], $0x3E80  }
0x4e: {  	[sflag:s22] =	ssyncset.done $0x0  }
0x4f: {  	[sflag:s22] =	ssyncadd.s32 $0xFFFFC180  }
0x50: {  	_ =	swait.ge [sflag:s23], $0x3E80  }
0x51: {  	[sflag:s23] =	ssyncset.done $0x0  }
0x52: {  	[sflag:s23] =	ssyncadd.s32 $0xFFFFC180  }
0x53: {  	[tilespmem:s4], [sflag:$0x5] =	stream.linear.gather [hbm4b:s9+s4], $0x1400, $0x38;
	[tilespmem:$0x1E800] =	vst v63  }
0x54: {  	_ =	swait.ge [sflag:s14], $0x1400  }
0x55: {  	[sflag:s14] =	ssyncset.done $0x0  }
0x56: {  	[sflag:s14] =	ssyncadd.s32 $0xFFFFEC00  }
0x57: {  	[tilespmem:s15], [sflag:$0x5] =	stream.linear.gather [hbm4b:s10+s4], $0x1400, $0x38;
	[tilespmem:$0x1E800] =	vst v63  }
0x58: {  	_ =	swait.ge [sflag:s14], $0x1400  }
0x59: {  	[sflag:s14] =	ssyncset.done $0x0  }
0x5a: {  	[sflag:s14] =	ssyncadd.s32 $0xFFFFEC00  }
0x5b: {  	[tilespmem:s17], [sflag:$0x1] =	stream.indirect.gather [hbm4b:s1+s16], $0x80, s4, s16, $0xb8;
	[tilespmem:$0x1E800] =	vst v63  }
0x5c: {  	_ =	swait.ge [sflag:s18], $0x3E80  }
0x5d: {  	[sflag:s18] =	ssyncset.done $0x0  }
0x5e: {  	[sflag:s18] =	ssyncadd.s32 $0xFFFFC180  }
0x5f: {  	[spmem:s2] =	stream.indirect.scatter.add.f32 [tilespmem:s17], [sflag:$0x3], $0x80, s15, s16, $0xb8;
	[tilespmem:$0x1E800] =	vst v63  }
0x60: {  	_ = 	snop  }
0x61: {  	[tilespmem:s20], [sflag:$0x2] =	stream.indirect.gather [hbm4b:s1+s16], $0x80, s19, s16, $0xb8;
	[tilespmem:$0x1E800] =	vst v63  }
0x62: {  	_ =	swait.ge [sflag:s21], $0x3E80  }
0x63: {  	[sflag:s21] =	ssyncset.done $0x0  }
0x64: {  	s26 =	simm.s32 $0x1480;
	[sflag:s21] =	ssyncadd.s32 $0xFFFFC180  }
0x65: {  	[spmem:s2] =	stream.indirect.scatter.add.f32 [tilespmem:s20], [sflag:$0x4], $0x80, s26, s16, $0xb8;
	[tilespmem:$0x1E800] =	vst v63  }
0x66: {  	_ =	swait.ge [sflag:s22], $0x3E80  }
0x67: {  	[sflag:s22] =	ssyncset.done $0x0  }
0x68: {  	s30 =	simm.s32 $0x100;
	[sflag:s22] =	ssyncadd.s32 $0xFFFFC180  }
0x69: {  	[tilespmem:s17], [sflag:$0x1] =	stream.indirect.gather [hbm4b:s1+s16], $0x80, s30, s16, $0xb8;
	[tilespmem:$0x1E800] =	vst v63  }
0x6a: {  	_ =	swait.ge [sflag:s18], $0x3E80  }
0x6b: {  	[sflag:s18] =	ssyncset.done $0x0  }
0x6c: {  	s31 =	simm.s32 $0x1500;
	[sflag:s18] =	ssyncadd.s32 $0xFFFFC180  }
0x6d: {  	[spmem:s2] =	stream.indirect.scatter.add.f32 [tilespmem:s17], [sflag:$0x3], $0x80, s31, s16, $0xb8;
	[tilespmem:$0x1E800] =	vst v63  }
0x6e: {  	_ =	swait.ge [sflag:s23], $0x3E80  }
0x6f: {  	[sflag:s23] =	ssyncset.done $0x0  }
0x70: {  	s28 =	simm.s32 $0x180;
	s26 =	simm.s32 $0xFFFFB800;
	[sflag:s23] =	ssyncadd.s32 $0xFFFFC180  }
.LBB2_4:
0x71: {  	[tilespmem:s20], [sflag:$0x2] =	stream.indirect.gather [hbm4b:s1+s16], $0x80, s28, s16, $0xb8;
	[tilespmem:$0x1E800] =	vst v63  }
0x72: {  	s28 =	smov.u32 s26  }
0x73: {  	p0 =	sne.s32 s26, $0xFFFFFC00;
	s26 =	sadd.s32 $0x400, s26;
	_ =	swait.ge [sflag:s21], $0x3E80  }
0x74: {  	s28 =	sshra.s32 s28, $0x2;
	[sflag:s21] =	ssyncset.done $0x0  }
0x75: {  	s29 =	sadd.s32 $0x2780, s28;
	[sflag:s21] =	ssyncadd.s32 $0xFFFFC180  }
0x76: {  	[spmem:s2] =	stream.indirect.scatter.add.f32 [tilespmem:s20], [sflag:$0x4], $0x80, s29, s16, $0xb8;
	[tilespmem:$0x1E800] =	vst v63  }
0x77: {  	_ =	swait.ge [sflag:s22], $0x3E80  }
0x78: {  	[sflag:s22] =	ssyncset.done $0x0  }
0x79: {  	s29 =	sadd.s32 $0x1400, s28;
	[sflag:s22] =	ssyncadd.s32 $0xFFFFC180  }
0x7a: {  	[tilespmem:s17], [sflag:$0x1] =	stream.indirect.gather [hbm4b:s1+s16], $0x80, s29, s16, $0xb8;
	[tilespmem:$0x1E800] =	vst v63  }
0x7b: {  	_ =	swait.ge [sflag:s18], $0x3E80  }
0x7c: {  	[sflag:s18] =	ssyncset.done $0x0  }
.Ltmp1:
0x7d: {  	s29 =	sadd.s32 $0x2800, s28;
	[sflag:s18] =	ssyncadd.s32 $0xFFFFC180;
	(pc) =	sbr.rel @p0 .LBB2_4-.Ltmp1, $4  }
0x7e: {  	[spmem:s2] =	stream.indirect.scatter.add.f32 [tilespmem:s17], [sflag:$0x3], $0x80, s29, s16, $0xb8;
	[tilespmem:$0x1E800] =	vst v63  }
0x7f: {  	_ =	swait.ge [sflag:s23], $0x3E80  }
0x80: {  	[sflag:s23] =	ssyncset.done $0x0  }
0x81: {  	s28 =	sadd.s32 $0x1480, s28;
	[sflag:s23] =	ssyncadd.s32 $0xFFFFC180  }
0x82: {  	[tilespmem:s20], [sflag:$0x2] =	stream.indirect.gather [hbm4b:s1+s16], $0x80, s28, s16, $0xb8;
	[tilespmem:$0x1E800] =	vst v63  }
0x83: {  	_ =	swait.ge [sflag:s21], $0x3E80  }
0x84: {  	[sflag:s21] =	ssyncset.done $0x0  }
0x85: {  	[sflag:s21] =	ssyncadd.s32 $0xFFFFC180  }
0x86: {  	[spmem:s2] =	stream.indirect.scatter.add.f32 [tilespmem:s20], [sflag:$0x4], $0x80, s24, s16, $0xb8;
	[tilespmem:$0x1E800] =	vst v63  }
0x87: {  	_ =	swait.ge [sflag:s22], $0x3E80  }
0x88: {  	[sflag:s22] =	ssyncset.done $0x0  }
0x89: {  	[sflag:s22] =	ssyncadd.s32 $0xFFFFC180  }
0x8a: {  	_ =	swait.ge [sflag:s23], $0x3E80  }
0x8b: {  	s25 =	sadd.s32 $0x1, s25;
	[sflag:s23] =	ssyncset.done $0x0  }
0x8c: {  	p0 =	sne.s32 s25, s12;
	[sflag:s23] =	ssyncadd.s32 $0xFFFFC180  }
.Ltmp2:
0x8d: {  	[bflag:$0x0] =	sbarrier.arrive $0xFFFF;
	(pc) =	sbr.rel @p0 .LBB2_1-.Ltmp2, $4  }
0x8e: {  	[hbm:s11], [sflag:s6] =	dma.local [spmem:s13], $0x2800  }
0x8f: {  	_ =	swait.ge [sflag:s14], $0x2800  }
0x90: {  	[sflag:s14] =	ssyncset.done $0x0  }
0x91: {  	[sflag:s14] =	ssyncadd.s32 $0xFFFFD800  }
0x92: {  	_ =	sfence.sel $0x180000  }
0x93: {  	[bflag:$0x0] =	sbarrier.arrive $0xFFFF  }
0x94: {  	p0 =	sne.s32 s3, $0x0;
	_ =	strace $0x9000004A  }
0x95: {  	s0 =	sadd.s32 @!p0 $0x100000, s0;
	[bflag:$0x2] =	sbarrier.arrive $0xFFFF  }
0x96: {  	[sflag:s0] =	ssyncadd.tile.s32 @!p0 $0x1;
	_ =	shalt  }
.Lfunc_end2:
_tile_overlayer_lowered:
.L_overlay_start_2:
0x97: {  	(tag) =	ssettag $0x2  }
0x98: {  	s0 =	rddreg [dreg:$0x0];
	s2 =	stileid.u32  }
0x99: {  	s1 =	rddreg [dreg:$0x1];
	p0 =	sne.s32 s2, $0x0  }
0x9a: {  	s3 =	rddreg [dreg:$0x2];
	[bflag:$0x3] =	sbarrier.arrive $0xFFFF;
	s2 =	simm.s32 @!p0 $0x1C05  }
0x9b: {  	[timem:s3], [sflag:s2] =	dma.local @!p0 [hbm:s0], s1  }
0x9c: {  	s0 =	simm.s32 @!p0 $0x5  }
0x9d: {  	_ =	swait.ge @!p0 [sflag:s0], s1  }
0x9e: {  	s1 =	ssub.s32 @!p0 $0x0, s1;
	[sflag:s0] =	ssyncset.done @!p0 $0x0  }
0x9f: {  	[sflag:s0] =	ssyncadd.s32 @!p0 s1  }
0xa0: {  	[bflag:$0x3] =	sbarrier.arrive $0xFFFF  }
0xa1: {  	_ =	shalt  }

</sc_bundles>
